<compile_context>
chip_gen: v7x
topology: tpu7x:2x2x1
jax: 0.10.2.dev20260603
libtpu: 0.0.44.dev20260713+nightly
codegen_flags: <defaults>
</compile_context>

<pallas_src>
import functools
import math

import jax
import jax.numpy as jnp
from jax import lax
from jax.experimental import pallas as pl
from jax.experimental.pallas import tpu as pltpu
from jax.experimental.pallas import tpu_sc as plsc

N = 10000
E = 320000
F = 128

NS = 16
CHUNK = 80
EPT = E // NS
NCHUNK = EPT // CHUNK
K = 5
NBLK = NCHUNK // K
assert K * NBLK == NCHUNK and NBLK % 2 == 0
ROW_STRIDE = 624
ROW_COPY = 640
assert ROW_STRIDE * (NS - 1) + ROW_COPY == N

_BN_SCALE = 1.0 / math.sqrt(1.0 + 1e-3)


def _sc_segment_sums(x, idx_all):
    mesh = plsc.VectorSubcoreMesh(core_axis_name="c", subcore_axis_name="s")
    out = jax.ShapeDtypeStruct((N, F), jnp.float32)

    @functools.partial(
        pl.kernel,
        out_type=(out, out),
        mesh=mesh,
        scratch_types=[
            pltpu.VMEM((K, CHUNK), jnp.int32),
            pltpu.VMEM((K, CHUNK), jnp.int32),
            pltpu.VMEM((K, CHUNK), jnp.int32),
            pltpu.VMEM((K, CHUNK), jnp.int32),
            pltpu.VMEM((CHUNK, F), jnp.float32),
            pltpu.VMEM((CHUNK, F), jnp.float32),
            pltpu.VMEM_SHARED((N, F), jnp.float32),
            pltpu.SemaphoreType.DMA,
            pltpu.SemaphoreType.DMA,
            pltpu.SemaphoreType.DMA,
            pltpu.SemaphoreType.DMA,
            pltpu.SemaphoreType.DMA,
        ],
    )
    def seg_sum(x_hbm, idx_hbm, prev_hbm, next_hbm,
                srcb0, srcb1, dstb0, dstb1, rows0, rows1, acc,
                semi, semg0, semg1, sems0, sems1):
        cid = lax.axis_index("c")
        sid = lax.axis_index("s")
        row0 = pl.multiple_of(sid * ROW_STRIDE, 8)
        srcb = [srcb0, srcb1]
        dstb = [dstb0, dstb1]
        rows = [rows0, rows1]
        semg = [semg0, semg1]
        sems = [sems0, sems1]

        def g_start(mb, k, b):
            pltpu.async_copy(x_hbm.at[srcb[mb].at[k]], rows[b], semg[b])

        def g_wait(mb, k, b):
            pltpu.make_async_copy(x_hbm.at[srcb[mb].at[k]], rows[b],
                                  semg[b]).wait()

        def s_start(mb, k, b):
            pltpu.async_copy(rows[b], acc.at[dstb[mb].at[k]], sems[b],
                             add=True)

        def s_wait(mb, k, b):
            pltpu.make_async_copy(rows[b], acc.at[dstb[mb].at[k]],
                                  sems[b]).wait()

        def i_start(mb, m):
            pltpu.async_copy(idx_hbm.at[cid, 1, sid, m], srcb[mb], semi)
            pltpu.async_copy(idx_hbm.at[cid, 0, sid, m], dstb[mb], semi)

        def i_wait(mb, m):
            pltpu.make_async_copy(idx_hbm.at[cid, 1, sid, m], srcb[mb],
                                  semi).wait()
            pltpu.make_async_copy(idx_hbm.at[cid, 0, sid, m], dstb[mb],
                                  semi).wait()

        pltpu.sync_copy(idx_hbm.at[cid, 1, sid, 0], srcb[0])
        pltpu.sync_copy(idx_hbm.at[cid, 0, sid, 0], dstb[0])
        i_start(1, 1)
        g_start(0, 0, 0)

        zv = jnp.zeros((16,), jnp.float32)

        def zero_row(r, carry):
            for c in range(F // 16):
                rows1[r, pl.ds(c * 16, 16)] = zv
            return carry

        lax.fori_loop(0, CHUNK, zero_row, 0)
        for ii in range(ROW_COPY // CHUNK):
            pltpu.async_copy(rows1, acc.at[pl.ds(row0 + ii * CHUNK, CHUNK)],
                             sems0)
        for ii in range(ROW_COPY // CHUNK):
            pltpu.make_async_copy(rows1,
                                  acc.at[pl.ds(row0 + ii * CHUNK, CHUNK)],
                                  sems0).wait()
        plsc.subcore_barrier()

        def block_pair(i, carry):
            for half in (0, 1):
                m = 2 * i + half
                for k in range(K):
                    b = (half + k) % 2
                    nb = 1 - b
                    g_wait(half, k, b)
                    if k == 0:
                        if half == 0:
                            @pl.when(i >= 1)
                            def _():
                                s_wait(1, K - 1, nb)
                                i_start(1, m + 1)
                        else:
                            s_wait(0, K - 1, nb)

                            @pl.when(i < NBLK // 2 - 1)
                            def _():
                                i_start(0, m + 1)
                    else:
                        s_wait(half, k - 1, nb)
                    s_start(half, k, b)
                    if k < K - 1:
                        g_start(half, k + 1, nb)
                    else:
                        if half == 0:
                            i_wait(1, m + 1)
                            g_start(1, 0, nb)
                        else:
                            @pl.when(i < NBLK // 2 - 1)
                            def _():
                                i_wait(0, m + 1)
                                g_start(0, 0, nb)
            return carry

        lax.fori_loop(0, NBLK // 2, block_pair, 0)
        s_wait(1, K - 1, 1)
        plsc.subcore_barrier()

        @pl.when(cid == 0)
        def _():
            pltpu.sync_copy(acc.at[pl.ds(row0, ROW_COPY)],
                            prev_hbm.at[pl.ds(row0, ROW_COPY)])

        @pl.when(cid == 1)
        def _():
            pltpu.sync_copy(acc.at[pl.ds(row0, ROW_COPY)],
                            next_hbm.at[pl.ds(row0, ROW_COPY)])

    return seg_sum(x, idx_all)


def _tc_recurrent(x, grk, gb1):
    R = 2000

    def body(x_ref, grk_ref, gb1_ref, o_ref):
        o_ref[...] = jnp.dot(x_ref[...], grk_ref[...],
                             preferred_element_type=jnp.float32) + gb1_ref[...]

    return pl.pallas_call(
        body,
        grid=(N // R,),
        in_specs=[
            pl.BlockSpec((R, F), lambda i: (i, 0)),
            pl.BlockSpec((F, 3 * F), lambda i: (0, 0)),
            pl.BlockSpec((3 * F,), lambda i: (0,)),
        ],
        out_specs=pl.BlockSpec((R, 3 * F), lambda i: (i, 0)),
        out_shape=jax.ShapeDtypeStruct((N, 3 * F), jnp.float32),
    )(x, grk, gb1)


def _tc_dense(x, psum, nsum, wNext, wPrev, bvec, gamma, beta, gk, gb0,
              grk, gb1):
    R = 2000

    def body(x_ref, p_ref, n_ref, wn_ref, wp_ref, b_ref, g_ref,
             be_ref, gk_ref, gb0_ref, grk_ref, gb1_ref, o_ref):
        xb = x_ref[...]
        aggre = jnp.dot(n_ref[...], wn_ref[...],
                        preferred_element_type=jnp.float32)
        aggre = aggre + jnp.dot(p_ref[...], wp_ref[...],
                                preferred_element_type=jnp.float32)
        aggre = aggre + b_ref[...] + xb
        a = jnp.maximum(aggre, 0.0)
        a = a * (g_ref[...] * _BN_SCALE) + be_ref[...]
        mx = jnp.dot(a, gk_ref[...], preferred_element_type=jnp.float32)
        mx = mx + gb0_ref[...]
        mi = jnp.dot(xb, grk_ref[...], preferred_element_type=jnp.float32)
        mi = mi + gb1_ref[...]
        z = jax.nn.sigmoid(mx[:, 0:F] + mi[:, 0:F])
        r = jax.nn.sigmoid(mx[:, F:2 * F] + mi[:, F:2 * F])
        hh = jnp.tanh(mx[:, 2 * F:] + r * mi[:, 2 * F:])
        o_ref[...] = z * xb + (1.0 - z) * hh

    def full(shape):
        return pl.BlockSpec(shape, lambda i: (0,) * len(shape))

    return pl.pallas_call(
        body,
        grid=(N // R,),
        in_specs=[
            pl.BlockSpec((R, F), lambda i: (i, 0)),
            pl.BlockSpec((R, F), lambda i: (i, 0)),
            pl.BlockSpec((R, F), lambda i: (i, 0)),
            full((F, F)),
            full((F, F)),
            full((F,)),
            full((F,)),
            full((F,)),
            full((F, 3 * F)),
            full((3 * F,)),
            full((F, 3 * F)),
            full((3 * F,)),
        ],
        out_specs=pl.BlockSpec((R, F), lambda i: (i, 0)),
        out_shape=jax.ShapeDtypeStruct((N, F), jnp.float32),
    )(x, psum, nsum, wNext, wPrev, bvec, gamma, beta, gk, gb0, grk, gb1)


def kernel(x, pairsPrev, pairsNext, kmers, wNext, wPrev, b, gamma, beta,
           gru_kernel, gru_rkernel, gru_bias):
    idx_all = jnp.stack([pairsPrev, pairsNext]).transpose(0, 2, 1)
    idx_all = idx_all.reshape(2, 2, NS, NBLK, K, CHUNK)
    psum, nsum = _sc_segment_sums(x, idx_all)
    return _tc_dense(x, psum, nsum, wNext, wPrev, b.reshape(F), gamma,
                     beta, gru_kernel, gru_bias[0], gru_rkernel, gru_bias[1])

# --- scband reference (transcript-rebuilt; emitter-appended) ---
"""Pipeline reference for scband-message-passing-conv-5995774345718 (READ-ONLY COPY).

The authoritative reference and input builder live on the scoring server;
editing this copy changes nothing except your own understanding.
"""

import jax, jax.numpy as jnp
import numpy as np

N = 10000
E = 320000
F = 128


def setup_inputs(seed: int = 0) -> dict:
    key = jax.random.key(seed)
    ks = jax.random.split(key, 12)
    x = jax.random.normal(ks[0], (N, F), dtype=jnp.float32)
    # pairs tensors: column 0 = destination segment id (must be sorted for TF segment_sum semantics),
    # column -1 = source node to gather from
    dst_prev = jnp.sort(jax.random.randint(ks[1], (E,), 0, N, dtype=jnp.int32))
    src_prev = jax.random.randint(ks[2], (E,), 0, N, dtype=jnp.int32)
    pairsPrev = jnp.stack([dst_prev, src_prev], axis=1)
    dst_next = jnp.sort(jax.random.randint(ks[3], (E,), 0, N, dtype=jnp.int32))
    src_next = jax.random.randint(ks[4], (E,), 0, N, dtype=jnp.int32)
    pairsNext = jnp.stack([dst_next, src_next], axis=1)
    kmers = jax.random.randint(ks[5], (100,), 1, 100, dtype=jnp.int32)
    # learned parameters
    wNext = 0.05 * jax.random.normal(ks[6], (F, F), dtype=jnp.float32)
    wPrev = 0.05 * jax.random.normal(ks[7], (F, F), dtype=jnp.float32)
    b = jnp.zeros((1, F), dtype=jnp.float32)
    gamma = jnp.ones((F,), dtype=jnp.float32)
    beta = jnp.zeros((F,), dtype=jnp.float32)
    gru_kernel = 0.05 * jax.random.normal(ks[8], (F, 3 * F), dtype=jnp.float32)
    gru_rkernel = 0.05 * jax.random.normal(ks[9], (F, 3 * F), dtype=jnp.float32)
    gru_bias = jnp.zeros((2, 3 * F), dtype=jnp.float32)
    return {
        "x": x,
        "pairsPrev": pairsPrev,
        "pairsNext": pairsNext,
        "kmers": kmers,
        "wNext": wNext,
        "wPrev": wPrev,
        "b": b,
        "gamma": gamma,
        "beta": beta,
        "gru_kernel": gru_kernel,
        "gru_rkernel": gru_rkernel,
        "gru_bias": gru_bias,
    }


def reference(x, pairsPrev, pairsNext, kmers, wNext, wPrev, b, gamma, beta, gru_kernel, gru_rkernel, gru_bias):
    # gather neighbor features and segment-sum by destination node
    prev_x = jnp.take(x, pairsPrev[:, -1], axis=0)
    prev_sumx = jax.ops.segment_sum(prev_x, pairsPrev[:, 0], num_segments=N)
    next_x = jnp.take(x, pairsNext[:, -1], axis=0)
    next_sumx = jax.ops.segment_sum(next_x, pairsNext[:, 0], num_segments=N)
    aggre = jnp.matmul(next_sumx, wNext) + jnp.matmul(prev_sumx, wPrev) + b
    # non-padded, multiply=False branch: residual add
    aggre = aggre + x
    # bn_layer=True: activation then BatchNorm (inference mode, fresh moving stats: mean=0, var=1, eps=1e-3)
    a = jax.nn.relu(aggre)
    a = (a - 0.0) / jnp.sqrt(1.0 + 1e-3) * gamma + beta
    # Keras GRUCell (reset_after=True): inputs=aggre (post-bn), state=x
    matrix_x = jnp.matmul(a, gru_kernel) + gru_bias[0]
    matrix_inner = jnp.matmul(x, gru_rkernel) + gru_bias[1]
    x_z, x_r, x_h = jnp.split(matrix_x, 3, axis=1)
    r_z, r_r, r_h = jnp.split(matrix_inner, 3, axis=1)
    z = jax.nn.sigmoid(x_z + r_z)
    r = jax.nn.sigmoid(x_r + r_r)
    hh = jnp.tanh(x_h + r * r_h)
    h = z * x + (1.0 - z) * hh
    return h

if __name__ == "__main__":
    import jax
    _d = setup_inputs()
    print(jax.jit(kernel)(*tuple(_d.values())))

</pallas_src>

<mosaic_0001>
#map = affine_map<(d0, d1) -> (0, 0)>
#map1 = affine_map<(d0, d1) -> (0, 0, 0, 0, 0, 0)>
module attributes {stable_mosaic.version = 14 : i64} {
  func.func @seg_sum(%arg0: i32, %arg1: i32, %arg2: memref<10000x128xf32, #tpu.memory_space<hbm>>, %arg3: memref<2x2x16x50x5x80xi32, #tpu.memory_space<hbm>>, %arg4: memref<10000x128xf32, #tpu.memory_space<hbm>>, %arg5: memref<10000x128xf32, #tpu.memory_space<hbm>>, %arg6: memref<5x80xi32, #tpu.memory_space<vmem>>, %arg7: memref<5x80xi32, #tpu.memory_space<vmem>>, %arg8: memref<5x80xi32, #tpu.memory_space<vmem>>, %arg9: memref<5x80xi32, #tpu.memory_space<vmem>>, %arg10: memref<80x128xf32, #tpu.memory_space<vmem>>, %arg11: memref<80x128xf32, #tpu.memory_space<vmem>>, %arg12: memref<10000x128xf32, #tpu.memory_space<vmem_shared>>, %arg13: memref<!tpu.dma_semaphore, #tpu.memory_space<semaphore_mem>>, %arg14: memref<!tpu.dma_semaphore, #tpu.memory_space<semaphore_mem>>, %arg15: memref<!tpu.dma_semaphore, #tpu.memory_space<semaphore_mem>>, %arg16: memref<!tpu.dma_semaphore, #tpu.memory_space<semaphore_mem>>, %arg17: memref<!tpu.dma_semaphore, #tpu.memory_space<semaphore_mem>>) attributes {dimension_semantics = [#tpu.dimension_semantics<core_parallel>, #tpu.dimension_semantics<subcore_parallel>], iteration_bounds = array<i64: 2, 16>, scalar_prefetch = 0 : i64, scratch_operands = 12 : i64, tpu.core_type = #tpu.core_type<sc_vector_subcore>, window_params = [{transform_indices = #map}, {transform_indices = #map1}, {transform_indices = #map}, {transform_indices = #map}]} {
    %mul3A = arith.constant 624 : i32
    %mul3A_0 = arith.muli %arg1, %mul3A : i32
    %multiple_of3A = tpu.assume_multiple %mul3A_0, 8 : i32
    %run_scoped3A = arith.constant 1 : i32
    %run_scoped3A_1 = arith.constant 0 : i32
    "tpu.region"() ({
      %run_scoped3A_151 = tpu.sem_alloc : memref<!tpu.dma_semaphore, #tpu.memory_space<semaphore_mem>>
      %dma_start3A_152 = arith.constant 0 : i32
      %dma_start3A_153 = arith.constant 0 : i32
      %dma_start3A_154 = tpu.memref_slice %arg3[%arg0, %run_scoped3A, %arg1, %run_scoped3A_1, %dma_start3A_152, %dma_start3A_153] : memref<2x2x16x50x5x80xi32, #tpu.memory_space<hbm>> -> memref<1x1x1x1x5x80xi32, #tpu.memory_space<hbm>>
      %dma_start3A_155 = tpu.memref_squeeze %dma_start3A_154 : memref<1x1x1x1x5x80xi32, #tpu.memory_space<hbm>> -> memref<5x80xi32, #tpu.memory_space<hbm>>
      %dma_start3A_156 = arith.constant 0 : i32
      %dma_start3A_157 = arith.constant 0 : i32
      %dma_start3A_158 = tpu.memref_slice %arg3[%arg0, %run_scoped3A, %arg1, %run_scoped3A_1, %dma_start3A_156, %dma_start3A_157] : memref<2x2x16x50x5x80xi32, #tpu.memory_space<hbm>> -> memref<1x1x1x1x5x80xi32, #tpu.memory_space<hbm>>
      %dma_start3A_159 = tpu.memref_squeeze %dma_start3A_158 : memref<1x1x1x1x5x80xi32, #tpu.memory_space<hbm>> -> memref<5x80xi32, #tpu.memory_space<hbm>>
      tpu.enqueue_dma source(%dma_start3A_159 : memref<5x80xi32, #tpu.memory_space<hbm>>) target(%arg6 : memref<5x80xi32, #tpu.memory_space<vmem>>) target_semaphore(%run_scoped3A_151 : memref<!tpu.dma_semaphore, #tpu.memory_space<semaphore_mem>>)
      %dma_wait3A_160 = arith.constant 0 : i32
      %dma_wait3A_161 = arith.constant 0 : i32
      %dma_wait3A_162 = tpu.memref_slice %arg3[%arg0, %run_scoped3A, %arg1, %run_scoped3A_1, %dma_wait3A_160, %dma_wait3A_161] : memref<2x2x16x50x5x80xi32, #tpu.memory_space<hbm>> -> memref<1x1x1x1x5x80xi32, #tpu.memory_space<hbm>>
      %dma_wait3A_163 = tpu.memref_squeeze %dma_wait3A_162 : memref<1x1x1x1x5x80xi32, #tpu.memory_space<hbm>> -> memref<5x80xi32, #tpu.memory_space<hbm>>
      %dma_wait3A_164 = arith.constant 0 : i32
      %dma_wait3A_165 = arith.constant 0 : i32
      %dma_wait3A_166 = tpu.memref_slice %arg3[%arg0, %run_scoped3A, %arg1, %run_scoped3A_1, %dma_wait3A_164, %dma_wait3A_165] : memref<2x2x16x50x5x80xi32, #tpu.memory_space<hbm>> -> memref<1x1x1x1x5x80xi32, #tpu.memory_space<hbm>>
      %dma_wait3A_167 = tpu.memref_squeeze %dma_wait3A_166 : memref<1x1x1x1x5x80xi32, #tpu.memory_space<hbm>> -> memref<5x80xi32, #tpu.memory_space<hbm>>
      tpu.wait_dma2 semaphore(%run_scoped3A_151 : memref<!tpu.dma_semaphore, #tpu.memory_space<semaphore_mem>>) src(%dma_wait3A_167 : memref<5x80xi32, #tpu.memory_space<hbm>>) dst(%arg6 : memref<5x80xi32, #tpu.memory_space<vmem>>)
      tpu.yield
    }) : () -> ()
    %run_scoped3A_2 = arith.constant 0 : i32
    %run_scoped3A_3 = arith.constant 0 : i32
    "tpu.region"() ({
      %run_scoped3A_151 = tpu.sem_alloc : memref<!tpu.dma_semaphore, #tpu.memory_space<semaphore_mem>>
      %dma_start3A_152 = arith.constant 0 : i32
      %dma_start3A_153 = arith.constant 0 : i32
      %dma_start3A_154 = tpu.memref_slice %arg3[%arg0, %run_scoped3A_2, %arg1, %run_scoped3A_3, %dma_start3A_152, %dma_start3A_153] : memref<2x2x16x50x5x80xi32, #tpu.memory_space<hbm>> -> memref<1x1x1x1x5x80xi32, #tpu.memory_space<hbm>>
      %dma_start3A_155 = tpu.memref_squeeze %dma_start3A_154 : memref<1x1x1x1x5x80xi32, #tpu.memory_space<hbm>> -> memref<5x80xi32, #tpu.memory_space<hbm>>
      %dma_start3A_156 = arith.constant 0 : i32
      %dma_start3A_157 = arith.constant 0 : i32
      %dma_start3A_158 = tpu.memref_slice %arg3[%arg0, %run_scoped3A_2, %arg1, %run_scoped3A_3, %dma_start3A_156, %dma_start3A_157] : memref<2x2x16x50x5x80xi32, #tpu.memory_space<hbm>> -> memref<1x1x1x1x5x80xi32, #tpu.memory_space<hbm>>
      %dma_start3A_159 = tpu.memref_squeeze %dma_start3A_158 : memref<1x1x1x1x5x80xi32, #tpu.memory_space<hbm>> -> memref<5x80xi32, #tpu.memory_space<hbm>>
      tpu.enqueue_dma source(%dma_start3A_159 : memref<5x80xi32, #tpu.memory_space<hbm>>) target(%arg8 : memref<5x80xi32, #tpu.memory_space<vmem>>) target_semaphore(%run_scoped3A_151 : memref<!tpu.dma_semaphore, #tpu.memory_space<semaphore_mem>>)
      %dma_wait3A_160 = arith.constant 0 : i32
      %dma_wait3A_161 = arith.constant 0 : i32
      %dma_wait3A_162 = tpu.memref_slice %arg3[%arg0, %run_scoped3A_2, %arg1, %run_scoped3A_3, %dma_wait3A_160, %dma_wait3A_161] : memref<2x2x16x50x5x80xi32, #tpu.memory_space<hbm>> -> memref<1x1x1x1x5x80xi32, #tpu.memory_space<hbm>>
      %dma_wait3A_163 = tpu.memref_squeeze %dma_wait3A_162 : memref<1x1x1x1x5x80xi32, #tpu.memory_space<hbm>> -> memref<5x80xi32, #tpu.memory_space<hbm>>
      %dma_wait3A_164 = arith.constant 0 : i32
      %dma_wait3A_165 = arith.constant 0 : i32
      %dma_wait3A_166 = tpu.memref_slice %arg3[%arg0, %run_scoped3A_2, %arg1, %run_scoped3A_3, %dma_wait3A_164, %dma_wait3A_165] : memref<2x2x16x50x5x80xi32, #tpu.memory_space<hbm>> -> memref<1x1x1x1x5x80xi32, #tpu.memory_space<hbm>>
      %dma_wait3A_167 = tpu.memref_squeeze %dma_wait3A_166 : memref<1x1x1x1x5x80xi32, #tpu.memory_space<hbm>> -> memref<5x80xi32, #tpu.memory_space<hbm>>
      tpu.wait_dma2 semaphore(%run_scoped3A_151 : memref<!tpu.dma_semaphore, #tpu.memory_space<semaphore_mem>>) src(%dma_wait3A_167 : memref<5x80xi32, #tpu.memory_space<hbm>>) dst(%arg8 : memref<5x80xi32, #tpu.memory_space<vmem>>)
      tpu.yield
    }) : () -> ()
    %dma_start3A = arith.constant 1 : i32
    %dma_start3A_4 = arith.constant 1 : i32
    %dma_start3A_5 = arith.constant 0 : i32
    %dma_start3A_6 = arith.constant 0 : i32
    %dma_start3A_7 = tpu.memref_slice %arg3[%arg0, %dma_start3A, %arg1, %dma_start3A_4, %dma_start3A_5, %dma_start3A_6] : memref<2x2x16x50x5x80xi32, #tpu.memory_space<hbm>> -> memref<1x1x1x1x5x80xi32, #tpu.memory_space<hbm>>
    %dma_start3A_8 = tpu.memref_squeeze %dma_start3A_7 : memref<1x1x1x1x5x80xi32, #tpu.memory_space<hbm>> -> memref<5x80xi32, #tpu.memory_space<hbm>>
    %dma_start3A_9 = arith.constant 0 : i32
    %dma_start3A_10 = arith.constant 0 : i32
    %dma_start3A_11 = tpu.memref_slice %arg3[%arg0, %dma_start3A, %arg1, %dma_start3A_4, %dma_start3A_9, %dma_start3A_10] : memref<2x2x16x50x5x80xi32, #tpu.memory_space<hbm>> -> memref<1x1x1x1x5x80xi32, #tpu.memory_space<hbm>>
    %dma_start3A_12 = tpu.memref_squeeze %dma_start3A_11 : memref<1x1x1x1x5x80xi32, #tpu.memory_space<hbm>> -> memref<5x80xi32, #tpu.memory_space<hbm>>
    tpu.enqueue_dma source(%dma_start3A_12 : memref<5x80xi32, #tpu.memory_space<hbm>>) target(%arg7 : memref<5x80xi32, #tpu.memory_space<vmem>>) target_semaphore(%arg13 : memref<!tpu.dma_semaphore, #tpu.memory_space<semaphore_mem>>)
    %dma_start3A_13 = arith.constant 0 : i32
    %dma_start3A_14 = arith.constant 1 : i32
    %dma_start3A_15 = arith.constant 0 : i32
    %dma_start3A_16 = arith.constant 0 : i32
    %dma_start3A_17 = tpu.memref_slice %arg3[%arg0, %dma_start3A_13, %arg1, %dma_start3A_14, %dma_start3A_15, %dma_start3A_16] : memref<2x2x16x50x5x80xi32, #tpu.memory_space<hbm>> -> memref<1x1x1x1x5x80xi32, #tpu.memory_space<hbm>>
    %dma_start3A_18 = tpu.memref_squeeze %dma_start3A_17 : memref<1x1x1x1x5x80xi32, #tpu.memory_space<hbm>> -> memref<5x80xi32, #tpu.memory_space<hbm>>
    %dma_start3A_19 = arith.constant 0 : i32
    %dma_start3A_20 = arith.constant 0 : i32
    %dma_start3A_21 = tpu.memref_slice %arg3[%arg0, %dma_start3A_13, %arg1, %dma_start3A_14, %dma_start3A_19, %dma_start3A_20] : memref<2x2x16x50x5x80xi32, #tpu.memory_space<hbm>> -> memref<1x1x1x1x5x80xi32, #tpu.memory_space<hbm>>
    %dma_start3A_22 = tpu.memref_squeeze %dma_start3A_21 : memref<1x1x1x1x5x80xi32, #tpu.memory_space<hbm>> -> memref<5x80xi32, #tpu.memory_space<hbm>>
    tpu.enqueue_dma source(%dma_start3A_22 : memref<5x80xi32, #tpu.memory_space<hbm>>) target(%arg9 : memref<5x80xi32, #tpu.memory_space<vmem>>) target_semaphore(%arg13 : memref<!tpu.dma_semaphore, #tpu.memory_space<semaphore_mem>>)
    %dma_start3A_23 = arith.constant 0 : i32
    %dma_start3A_24 = arith.constant 0 : i32
    %dma_start3A_25 = tpu.memref_slice %arg6[%dma_start3A_23, %dma_start3A_24] : memref<5x80xi32, #tpu.memory_space<vmem>> -> memref<1x80xi32, #tpu.memory_space<vmem>>
    %dma_start3A_26 = tpu.memref_squeeze %dma_start3A_25 : memref<1x80xi32, #tpu.memory_space<vmem>> -> memref<80xi32, #tpu.memory_space<vmem>>
    %dma_start3A_27 = arith.constant 0 : i32
    %dma_start3A_28 = arith.constant 0 : i32
    %dma_start3A_29 = tpu.memref_slice %arg2[%dma_start3A_27, %dma_start3A_28] : memref<10000x128xf32, #tpu.memory_space<hbm>> -> memref<10000x128xf32, #tpu.memory_space<hbm>>
    tpu.enqueue_indirect_dma source(%dma_start3A_29 : memref<10000x128xf32, #tpu.memory_space<hbm>>) target(%arg10 : memref<80x128xf32, #tpu.memory_space<vmem>>) offsets(%dma_start3A_26 : memref<80xi32, #tpu.memory_space<vmem>>) semaphore(%arg14 : memref<!tpu.dma_semaphore, #tpu.memory_space<semaphore_mem>>)
    %broadcast_in_dim3A = arith.constant 0.000000e+00 : f32
    %broadcast_in_dim3A_30 = vector.broadcast %broadcast_in_dim3A : f32 to vector<16xf32>
    %scan3A = arith.constant 0 : i32
    %scan3A_31 = arith.constant 0 : i32
    %scan3A_32 = arith.constant 80 : i32
    %scan3A_33 = arith.addi %scan3A_31, %scan3A_32 : i32
    %scan3A_34 = arith.constant 1 : i32
    scf.for %scan3A_151 = %scan3A_31 to %scan3A_33 step %scan3A_34  : i32 {
      %swap3A = arith.index_cast %scan3A_151 : i32 to index
      %swap3A_152 = arith.constant 0 : index
      %swap3A_153 = tpu.vector_load %arg11[%swap3A, %swap3A_152] {strides = array<i32>} : memref<80x128xf32, #tpu.memory_space<vmem>>, vector<1x16xf32>,
      %swap3A_154 = vector.shape_cast %swap3A_153 : vector<1x16xf32> to vector<16xf32>
      %swap3A_155 = vector.shape_cast %broadcast_in_dim3A_30 : vector<16xf32> to vector<1x16xf32>
      tpu.vector_store %arg11[%swap3A, %swap3A_152], %swap3A_155 {strides = array<i32>} : memref<80x128xf32, #tpu.memory_space<vmem>>, vector<1x16xf32>,
      %swap3A_156 = arith.index_cast %scan3A_151 : i32 to index
      %swap3A_157 = arith.constant 16 : index
      %swap3A_158 = tpu.vector_load %arg11[%swap3A_156, %swap3A_157] {strides = array<i32>} : memref<80x128xf32, #tpu.memory_space<vmem>>, vector<1x16xf32>,
      %swap3A_159 = vector.shape_cast %swap3A_158 : vector<1x16xf32> to vector<16xf32>
      %swap3A_160 = vector.shape_cast %broadcast_in_dim3A_30 : vector<16xf32> to vector<1x16xf32>
      tpu.vector_store %arg11[%swap3A_156, %swap3A_157], %swap3A_160 {strides = array<i32>} : memref<80x128xf32, #tpu.memory_space<vmem>>, vector<1x16xf32>,
      %swap3A_161 = arith.index_cast %scan3A_151 : i32 to index
      %swap3A_162 = arith.constant 32 : index
      %swap3A_163 = tpu.vector_load %arg11[%swap3A_161, %swap3A_162] {strides = array<i32>} : memref<80x128xf32, #tpu.memory_space<vmem>>, vector<1x16xf32>,
      %swap3A_164 = vector.shape_cast %swap3A_163 : vector<1x16xf32> to vector<16xf32>
      %swap3A_165 = vector.shape_cast %broadcast_in_dim3A_30 : vector<16xf32> to vector<1x16xf32>
      tpu.vector_store %arg11[%swap3A_161, %swap3A_162], %swap3A_165 {strides = array<i32>} : memref<80x128xf32, #tpu.memory_space<vmem>>, vector<1x16xf32>,
      %swap3A_166 = arith.index_cast %scan3A_151 : i32 to index
      %swap3A_167 = arith.constant 48 : index
      %swap3A_168 = tpu.vector_load %arg11[%swap3A_166, %swap3A_167] {strides = array<i32>} : memref<80x128xf32, #tpu.memory_space<vmem>>, vector<1x16xf32>,
      %swap3A_169 = vector.shape_cast %swap3A_168 : vector<1x16xf32> to vector<16xf32>
      %swap3A_170 = vector.shape_cast %broadcast_in_dim3A_30 : vector<16xf32> to vector<1x16xf32>
      tpu.vector_store %arg11[%swap3A_166, %swap3A_167], %swap3A_170 {strides = array<i32>} : memref<80x128xf32, #tpu.memory_space<vmem>>, vector<1x16xf32>,
      %swap3A_171 = arith.index_cast %scan3A_151 : i32 to index
      %swap3A_172 = arith.constant 64 : index
      %swap3A_173 = tpu.vector_load %arg11[%swap3A_171, %swap3A_172] {strides = array<i32>} : memref<80x128xf32, #tpu.memory_space<vmem>>, vector<1x16xf32>,
      %swap3A_174 = vector.shape_cast %swap3A_173 : vector<1x16xf32> to vector<16xf32>
      %swap3A_175 = vector.shape_cast %broadcast_in_dim3A_30 : vector<16xf32> to vector<1x16xf32>
      tpu.vector_store %arg11[%swap3A_171, %swap3A_172], %swap3A_175 {strides = array<i32>} : memref<80x128xf32, #tpu.memory_space<vmem>>, vector<1x16xf32>,
      %swap3A_176 = arith.index_cast %scan3A_151 : i32 to index
      %swap3A_177 = arith.constant 80 : index
      %swap3A_178 = tpu.vector_load %arg11[%swap3A_176, %swap3A_177] {strides = array<i32>} : memref<80x128xf32, #tpu.memory_space<vmem>>, vector<1x16xf32>,
      %swap3A_179 = vector.shape_cast %swap3A_178 : vector<1x16xf32> to vector<16xf32>
      %swap3A_180 = vector.shape_cast %broadcast_in_dim3A_30 : vector<16xf32> to vector<1x16xf32>
      tpu.vector_store %arg11[%swap3A_176, %swap3A_177], %swap3A_180 {strides = array<i32>} : memref<80x128xf32, #tpu.memory_space<vmem>>, vector<1x16xf32>,
      %swap3A_181 = arith.index_cast %scan3A_151 : i32 to index
      %swap3A_182 = arith.constant 96 : index
      %swap3A_183 = tpu.vector_load %arg11[%swap3A_181, %swap3A_182] {strides = array<i32>} : memref<80x128xf32, #tpu.memory_space<vmem>>, vector<1x16xf32>,
      %swap3A_184 = vector.shape_cast %swap3A_183 : vector<1x16xf32> to vector<16xf32>
      %swap3A_185 = vector.shape_cast %broadcast_in_dim3A_30 : vector<16xf32> to vector<1x16xf32>
      tpu.vector_store %arg11[%swap3A_181, %swap3A_182], %swap3A_185 {strides = array<i32>} : memref<80x128xf32, #tpu.memory_space<vmem>>, vector<1x16xf32>,
      %swap3A_186 = arith.index_cast %scan3A_151 : i32 to index
      %swap3A_187 = arith.constant 112 : index
      %swap3A_188 = tpu.vector_load %arg11[%swap3A_186, %swap3A_187] {strides = array<i32>} : memref<80x128xf32, #tpu.memory_space<vmem>>, vector<1x16xf32>,
      %swap3A_189 = vector.shape_cast %swap3A_188 : vector<1x16xf32> to vector<16xf32>
      %swap3A_190 = vector.shape_cast %broadcast_in_dim3A_30 : vector<16xf32> to vector<1x16xf32>
      tpu.vector_store %arg11[%swap3A_186, %swap3A_187], %swap3A_190 {strides = array<i32>} : memref<80x128xf32, #tpu.memory_space<vmem>>, vector<1x16xf32>,
    }
    %scan3A_35 = arith.constant 80 : i32
    %add3A = arith.constant 0 : i32
    %add3A_36 = arith.addi %multiple_of3A, %add3A : i32
    %dma_start3A_37 = arith.constant 0 : i32
    %dma_start3A_38 = tpu.memref_slice %arg12[%add3A_36, %dma_start3A_37] : memref<10000x128xf32, #tpu.memory_space<vmem_shared>> -> memref<80x128xf32, #tpu.memory_space<vmem_shared>>
    %dma_start3A_39 = arith.constant 0 : i32
    %dma_start3A_40 = tpu.memref_slice %arg12[%add3A_36, %dma_start3A_39] : memref<10000x128xf32, #tpu.memory_space<vmem_shared>> -> memref<80x128xf32, #tpu.memory_space<vmem_shared>>
    tpu.enqueue_dma source(%arg11 : memref<80x128xf32, #tpu.memory_space<vmem>>) target(%dma_start3A_40 : memref<80x128xf32, #tpu.memory_space<vmem_shared>>) target_semaphore(%arg16 : memref<!tpu.dma_semaphore, #tpu.memory_space<semaphore_mem>>)
    %add3A_41 = arith.constant 80 : i32
    %add3A_42 = arith.addi %multiple_of3A, %add3A_41 : i32
    %dma_start3A_43 = arith.constant 0 : i32
    %dma_start3A_44 = tpu.memref_slice %arg12[%add3A_42, %dma_start3A_43] : memref<10000x128xf32, #tpu.memory_space<vmem_shared>> -> memref<80x128xf32, #tpu.memory_space<vmem_shared>>
    %dma_start3A_45 = arith.constant 0 : i32
    %dma_start3A_46 = tpu.memref_slice %arg12[%add3A_42, %dma_start3A_45] : memref<10000x128xf32, #tpu.memory_space<vmem_shared>> -> memref<80x128xf32, #tpu.memory_space<vmem_shared>>
    tpu.enqueue_dma source(%arg11 : memref<80x128xf32, #tpu.memory_space<vmem>>) target(%dma_start3A_46 : memref<80x128xf32, #tpu.memory_space<vmem_shared>>) target_semaphore(%arg16 : memref<!tpu.dma_semaphore, #tpu.memory_space<semaphore_mem>>)
    %add3A_47 = arith.constant 160 : i32
    %add3A_48 = arith.addi %multiple_of3A, %add3A_47 : i32
    %dma_start3A_49 = arith.constant 0 : i32
    %dma_start3A_50 = tpu.memref_slice %arg12[%add3A_48, %dma_start3A_49] : memref<10000x128xf32, #tpu.memory_space<vmem_shared>> -> memref<80x128xf32, #tpu.memory_space<vmem_shared>>
    %dma_start3A_51 = arith.constant 0 : i32
    %dma_start3A_52 = tpu.memref_slice %arg12[%add3A_48, %dma_start3A_51] : memref<10000x128xf32, #tpu.memory_space<vmem_shared>> -> memref<80x128xf32, #tpu.memory_space<vmem_shared>>
    tpu.enqueue_dma source(%arg11 : memref<80x128xf32, #tpu.memory_space<vmem>>) target(%dma_start3A_52 : memref<80x128xf32, #tpu.memory_space<vmem_shared>>) target_semaphore(%arg16 : memref<!tpu.dma_semaphore, #tpu.memory_space<semaphore_mem>>)
    %add3A_53 = arith.constant 240 : i32
    %add3A_54 = arith.addi %multiple_of3A, %add3A_53 : i32
    %dma_start3A_55 = arith.constant 0 : i32
    %dma_start3A_56 = tpu.memref_slice %arg12[%add3A_54, %dma_start3A_55] : memref<10000x128xf32, #tpu.memory_space<vmem_shared>> -> memref<80x128xf32, #tpu.memory_space<vmem_shared>>
    %dma_start3A_57 = arith.constant 0 : i32
    %dma_start3A_58 = tpu.memref_slice %arg12[%add3A_54, %dma_start3A_57] : memref<10000x128xf32, #tpu.memory_space<vmem_shared>> -> memref<80x128xf32, #tpu.memory_space<vmem_shared>>
    tpu.enqueue_dma source(%arg11 : memref<80x128xf32, #tpu.memory_space<vmem>>) target(%dma_start3A_58 : memref<80x128xf32, #tpu.memory_space<vmem_shared>>) target_semaphore(%arg16 : memref<!tpu.dma_semaphore, #tpu.memory_space<semaphore_mem>>)
    %add3A_59 = arith.constant 320 : i32
    %add3A_60 = arith.addi %multiple_of3A, %add3A_59 : i32
    %dma_start3A_61 = arith.constant 0 : i32
    %dma_start3A_62 = tpu.memref_slice %arg12[%add3A_60, %dma_start3A_61] : memref<10000x128xf32, #tpu.memory_space<vmem_shared>> -> memref<80x128xf32, #tpu.memory_space<vmem_shared>>
    %dma_start3A_63 = arith.constant 0 : i32
    %dma_start3A_64 = tpu.memref_slice %arg12[%add3A_60, %dma_start3A_63] : memref<10000x128xf32, #tpu.memory_space<vmem_shared>> -> memref<80x128xf32, #tpu.memory_space<vmem_shared>>
    tpu.enqueue_dma source(%arg11 : memref<80x128xf32, #tpu.memory_space<vmem>>) target(%dma_start3A_64 : memref<80x128xf32, #tpu.memory_space<vmem_shared>>) target_semaphore(%arg16 : memref<!tpu.dma_semaphore, #tpu.memory_space<semaphore_mem>>)
    %add3A_65 = arith.constant 400 : i32
    %add3A_66 = arith.addi %multiple_of3A, %add3A_65 : i32
    %dma_start3A_67 = arith.constant 0 : i32
    %dma_start3A_68 = tpu.memref_slice %arg12[%add3A_66, %dma_start3A_67] : memref<10000x128xf32, #tpu.memory_space<vmem_shared>> -> memref<80x128xf32, #tpu.memory_space<vmem_shared>>
    %dma_start3A_69 = arith.constant 0 : i32
    %dma_start3A_70 = tpu.memref_slice %arg12[%add3A_66, %dma_start3A_69] : memref<10000x128xf32, #tpu.memory_space<vmem_shared>> -> memref<80x128xf32, #tpu.memory_space<vmem_shared>>
    tpu.enqueue_dma source(%arg11 : memref<80x128xf32, #tpu.memory_space<vmem>>) target(%dma_start3A_70 : memref<80x128xf32, #tpu.memory_space<vmem_shared>>) target_semaphore(%arg16 : memref<!tpu.dma_semaphore, #tpu.memory_space<semaphore_mem>>)
    %add3A_71 = arith.constant 480 : i32
    %add3A_72 = arith.addi %multiple_of3A, %add3A_71 : i32
    %dma_start3A_73 = arith.constant 0 : i32
    %dma_start3A_74 = tpu.memref_slice %arg12[%add3A_72, %dma_start3A_73] : memref<10000x128xf32, #tpu.memory_space<vmem_shared>> -> memref<80x128xf32, #tpu.memory_space<vmem_shared>>
    %dma_start3A_75 = arith.constant 0 : i32
    %dma_start3A_76 = tpu.memref_slice %arg12[%add3A_72, %dma_start3A_75] : memref<10000x128xf32, #tpu.memory_space<vmem_shared>> -> memref<80x128xf32, #tpu.memory_space<vmem_shared>>
    tpu.enqueue_dma source(%arg11 : memref<80x128xf32, #tpu.memory_space<vmem>>) target(%dma_start3A_76 : memref<80x128xf32, #tpu.memory_space<vmem_shared>>) target_semaphore(%arg16 : memref<!tpu.dma_semaphore, #tpu.memory_space<semaphore_mem>>)
    %add3A_77 = arith.constant 560 : i32
    %add3A_78 = arith.addi %multiple_of3A, %add3A_77 : i32
    %dma_start3A_79 = arith.constant 0 : i32
    %dma_start3A_80 = tpu.memref_slice %arg12[%add3A_78, %dma_start3A_79] : memref<10000x128xf32, #tpu.memory_space<vmem_shared>> -> memref<80x128xf32, #tpu.memory_space<vmem_shared>>
    %dma_start3A_81 = arith.constant 0 : i32
    %dma_start3A_82 = tpu.memref_slice %arg12[%add3A_78, %dma_start3A_81] : memref<10000x128xf32, #tpu.memory_space<vmem_shared>> -> memref<80x128xf32, #tpu.memory_space<vmem_shared>>
    tpu.enqueue_dma source(%arg11 : memref<80x128xf32, #tpu.memory_space<vmem>>) target(%dma_start3A_82 : memref<80x128xf32, #tpu.memory_space<vmem_shared>>) target_semaphore(%arg16 : memref<!tpu.dma_semaphore, #tpu.memory_space<semaphore_mem>>)
    %add3A_83 = arith.constant 0 : i32
    %add3A_84 = arith.addi %multiple_of3A, %add3A_83 : i32
    %dma_wait3A = arith.constant 0 : i32
    %dma_wait3A_85 = tpu.memref_slice %arg12[%add3A_84, %dma_wait3A] : memref<10000x128xf32, #tpu.memory_space<vmem_shared>> -> memref<80x128xf32, #tpu.memory_space<vmem_shared>>
    %dma_wait3A_86 = arith.constant 0 : i32
    %dma_wait3A_87 = tpu.memref_slice %arg12[%add3A_84, %dma_wait3A_86] : memref<10000x128xf32, #tpu.memory_space<vmem_shared>> -> memref<80x128xf32, #tpu.memory_space<vmem_shared>>
    tpu.wait_dma2 semaphore(%arg16 : memref<!tpu.dma_semaphore, #tpu.memory_space<semaphore_mem>>) src(%arg11 : memref<80x128xf32, #tpu.memory_space<vmem>>) dst(%dma_wait3A_87 : memref<80x128xf32, #tpu.memory_space<vmem_shared>>)
    %add3A_88 = arith.constant 80 : i32
    %add3A_89 = arith.addi %multiple_of3A, %add3A_88 : i32
    %dma_wait3A_90 = arith.constant 0 : i32
    %dma_wait3A_91 = tpu.memref_slice %arg12[%add3A_89, %dma_wait3A_90] : memref<10000x128xf32, #tpu.memory_space<vmem_shared>> -> memref<80x128xf32, #tpu.memory_space<vmem_shared>>
    %dma_wait3A_92 = arith.constant 0 : i32
    %dma_wait3A_93 = tpu.memref_slice %arg12[%add3A_89, %dma_wait3A_92] : memref<10000x128xf32, #tpu.memory_space<vmem_shared>> -> memref<80x128xf32, #tpu.memory_space<vmem_shared>>
    tpu.wait_dma2 semaphore(%arg16 : memref<!tpu.dma_semaphore, #tpu.memory_space<semaphore_mem>>) src(%arg11 : memref<80x128xf32, #tpu.memory_space<vmem>>) dst(%dma_wait3A_93 : memref<80x128xf32, #tpu.memory_space<vmem_shared>>)
    %add3A_94 = arith.constant 160 : i32
    %add3A_95 = arith.addi %multiple_of3A, %add3A_94 : i32
    %dma_wait3A_96 = arith.constant 0 : i32
    %dma_wait3A_97 = tpu.memref_slice %arg12[%add3A_95, %dma_wait3A_96] : memref<10000x128xf32, #tpu.memory_space<vmem_shared>> -> memref<80x128xf32, #tpu.memory_space<vmem_shared>>
    %dma_wait3A_98 = arith.constant 0 : i32
    %dma_wait3A_99 = tpu.memref_slice %arg12[%add3A_95, %dma_wait3A_98] : memref<10000x128xf32, #tpu.memory_space<vmem_shared>> -> memref<80x128xf32, #tpu.memory_space<vmem_shared>>
    tpu.wait_dma2 semaphore(%arg16 : memref<!tpu.dma_semaphore, #tpu.memory_space<semaphore_mem>>) src(%arg11 : memref<80x128xf32, #tpu.memory_space<vmem>>) dst(%dma_wait3A_99 : memref<80x128xf32, #tpu.memory_space<vmem_shared>>)
    %add3A_100 = arith.constant 240 : i32
    %add3A_101 = arith.addi %multiple_of3A, %add3A_100 : i32
    %dma_wait3A_102 = arith.constant 0 : i32
    %dma_wait3A_103 = tpu.memref_slice %arg12[%add3A_101, %dma_wait3A_102] : memref<10000x128xf32, #tpu.memory_space<vmem_shared>> -> memref<80x128xf32, #tpu.memory_space<vmem_shared>>
    %dma_wait3A_104 = arith.constant 0 : i32
    %dma_wait3A_105 = tpu.memref_slice %arg12[%add3A_101, %dma_wait3A_104] : memref<10000x128xf32, #tpu.memory_space<vmem_shared>> -> memref<80x128xf32, #tpu.memory_space<vmem_shared>>
    tpu.wait_dma2 semaphore(%arg16 : memref<!tpu.dma_semaphore, #tpu.memory_space<semaphore_mem>>) src(%arg11 : memref<80x128xf32, #tpu.memory_space<vmem>>) dst(%dma_wait3A_105 : memref<80x128xf32, #tpu.memory_space<vmem_shared>>)
    %add3A_106 = arith.constant 320 : i32
    %add3A_107 = arith.addi %multiple_of3A, %add3A_106 : i32
    %dma_wait3A_108 = arith.constant 0 : i32
    %dma_wait3A_109 = tpu.memref_slice %arg12[%add3A_107, %dma_wait3A_108] : memref<10000x128xf32, #tpu.memory_space<vmem_shared>> -> memref<80x128xf32, #tpu.memory_space<vmem_shared>>
    %dma_wait3A_110 = arith.constant 0 : i32
    %dma_wait3A_111 = tpu.memref_slice %arg12[%add3A_107, %dma_wait3A_110] : memref<10000x128xf32, #tpu.memory_space<vmem_shared>> -> memref<80x128xf32, #tpu.memory_space<vmem_shared>>
    tpu.wait_dma2 semaphore(%arg16 : memref<!tpu.dma_semaphore, #tpu.memory_space<semaphore_mem>>) src(%arg11 : memref<80x128xf32, #tpu.memory_space<vmem>>) dst(%dma_wait3A_111 : memref<80x128xf32, #tpu.memory_space<vmem_shared>>)
    %add3A_112 = arith.constant 400 : i32
    %add3A_113 = arith.addi %multiple_of3A, %add3A_112 : i32
    %dma_wait3A_114 = arith.constant 0 : i32
    %dma_wait3A_115 = tpu.memref_slice %arg12[%add3A_113, %dma_wait3A_114] : memref<10000x128xf32, #tpu.memory_space<vmem_shared>> -> memref<80x128xf32, #tpu.memory_space<vmem_shared>>
    %dma_wait3A_116 = arith.constant 0 : i32
    %dma_wait3A_117 = tpu.memref_slice %arg12[%add3A_113, %dma_wait3A_116] : memref<10000x128xf32, #tpu.memory_space<vmem_shared>> -> memref<80x128xf32, #tpu.memory_space<vmem_shared>>
    tpu.wait_dma2 semaphore(%arg16 : memref<!tpu.dma_semaphore, #tpu.memory_space<semaphore_mem>>) src(%arg11 : memref<80x128xf32, #tpu.memory_space<vmem>>) dst(%dma_wait3A_117 : memref<80x128xf32, #tpu.memory_space<vmem_shared>>)
    %add3A_118 = arith.constant 480 : i32
    %add3A_119 = arith.addi %multiple_of3A, %add3A_118 : i32
    %dma_wait3A_120 = arith.constant 0 : i32
    %dma_wait3A_121 = tpu.memref_slice %arg12[%add3A_119, %dma_wait3A_120] : memref<10000x128xf32, #tpu.memory_space<vmem_shared>> -> memref<80x128xf32, #tpu.memory_space<vmem_shared>>
    %dma_wait3A_122 = arith.constant 0 : i32
    %dma_wait3A_123 = tpu.memref_slice %arg12[%add3A_119, %dma_wait3A_122] : memref<10000x128xf32, #tpu.memory_space<vmem_shared>> -> memref<80x128xf32, #tpu.memory_space<vmem_shared>>
    tpu.wait_dma2 semaphore(%arg16 : memref<!tpu.dma_semaphore, #tpu.memory_space<semaphore_mem>>) src(%arg11 : memref<80x128xf32, #tpu.memory_space<vmem>>) dst(%dma_wait3A_123 : memref<80x128xf32, #tpu.memory_space<vmem_shared>>)
    %add3A_124 = arith.constant 560 : i32
    %add3A_125 = arith.addi %multiple_of3A, %add3A_124 : i32
    %dma_wait3A_126 = arith.constant 0 : i32
    %dma_wait3A_127 = tpu.memref_slice %arg12[%add3A_125, %dma_wait3A_126] : memref<10000x128xf32, #tpu.memory_space<vmem_shared>> -> memref<80x128xf32, #tpu.memory_space<vmem_shared>>
    %dma_wait3A_128 = arith.constant 0 : i32
    %dma_wait3A_129 = tpu.memref_slice %arg12[%add3A_125, %dma_wait3A_128] : memref<10000x128xf32, #tpu.memory_space<vmem_shared>> -> memref<80x128xf32, #tpu.memory_space<vmem_shared>>
    tpu.wait_dma2 semaphore(%arg16 : memref<!tpu.dma_semaphore, #tpu.memory_space<semaphore_mem>>) src(%arg11 : memref<80x128xf32, #tpu.memory_space<vmem>>) dst(%dma_wait3A_129 : memref<80x128xf32, #tpu.memory_space<vmem_shared>>)
    %barrier3A = arith.constant 0 : index
    tpu.barrier barrier_id(%barrier3A)
    %scan3A_130 = arith.constant 0 : i32
    %scan3A_131 = arith.constant 0 : i32
    %scan3A_132 = arith.constant 25 : i32
    %scan3A_133 = arith.addi %scan3A_131, %scan3A_132 : i32
    %scan3A_134 = arith.constant 1 : i32
    scf.for %scan3A_151 = %scan3A_131 to %scan3A_133 step %scan3A_134  : i32 {
      %mul3A_152 = arith.constant 2 : i32
      %mul3A_153 = arith.muli %mul3A_152, %scan3A_151 : i32
      %add3A_154 = arith.constant 0 : i32
      %add3A_155 = arith.addi %mul3A_153, %add3A_154 : i32
      %dma_wait3A_156 = arith.constant 0 : i32
      %dma_wait3A_157 = arith.constant 0 : i32
      %dma_wait3A_158 = tpu.memref_slice %arg6[%dma_wait3A_156, %dma_wait3A_157] : memref<5x80xi32, #tpu.memory_space<vmem>> -> memref<1x80xi32, #tpu.memory_space<vmem>>
      %dma_wait3A_159 = tpu.memref_squeeze %dma_wait3A_158 : memref<1x80xi32, #tpu.memory_space<vmem>> -> memref<80xi32, #tpu.memory_space<vmem>>
      %dma_wait3A_160 = arith.constant 0 : i32
      %dma_wait3A_161 = arith.constant 0 : i32
      %dma_wait3A_162 = tpu.memref_slice %arg2[%dma_wait3A_160, %dma_wait3A_161] : memref<10000x128xf32, #tpu.memory_space<hbm>> -> memref<10000x128xf32, #tpu.memory_space<hbm>>
      tpu.wait_indirect_dma semaphore(%arg14 : memref<!tpu.dma_semaphore, #tpu.memory_space<semaphore_mem>>) src(%dma_wait3A_162 : memref<10000x128xf32, #tpu.memory_space<hbm>>) dst(%arg10 : memref<80x128xf32, #tpu.memory_space<vmem>>)
      %ge3A = arith.constant 1 : i32
      %ge3A_163 = arith.cmpi sge, %scan3A_151, %ge3A : i32
      %convert_element_type3A_164 = arith.extui %ge3A_163 : i1 to i32
      %cond3A_165 = arith.constant 0 : i32
      %cond3A_166 = arith.cmpi ne, %convert_element_type3A_164, %cond3A_165 : i32
      scf.if %cond3A_166 {
        %dma_wait3A_459 = arith.constant 4 : i32
        %dma_wait3A_460 = arith.constant 0 : i32
        %dma_wait3A_461 = tpu.memref_slice %arg9[%dma_wait3A_459, %dma_wait3A_460] : memref<5x80xi32, #tpu.memory_space<vmem>> -> memref<1x80xi32, #tpu.memory_space<vmem>>
        %dma_wait3A_462 = tpu.memref_squeeze %dma_wait3A_461 : memref<1x80xi32, #tpu.memory_space<vmem>> -> memref<80xi32, #tpu.memory_space<vmem>>
        %dma_wait3A_463 = arith.constant 0 : i32
        %dma_wait3A_464 = arith.constant 0 : i32
        %dma_wait3A_465 = tpu.memref_slice %arg12[%dma_wait3A_463, %dma_wait3A_464] : memref<10000x128xf32, #tpu.memory_space<vmem_shared>> -> memref<10000x128xf32, #tpu.memory_space<vmem_shared>>
        tpu.wait_indirect_dma semaphore(%arg17 : memref<!tpu.dma_semaphore, #tpu.memory_space<semaphore_mem>>) src(%arg11 : memref<80x128xf32, #tpu.memory_space<vmem>>) dst(%dma_wait3A_465 : memref<10000x128xf32, #tpu.memory_space<vmem_shared>>)
        %add3A_466 = arith.constant 1 : i32
        %add3A_467 = arith.addi %add3A_155, %add3A_466 : i32
        %dma_start3A_468 = arith.constant 1 : i32
        %dma_start3A_469 = arith.constant 0 : i32
        %dma_start3A_470 = arith.constant 0 : i32
        %dma_start3A_471 = tpu.memref_slice %arg3[%arg0, %dma_start3A_468, %arg1, %add3A_467, %dma_start3A_469, %dma_start3A_470] : memref<2x2x16x50x5x80xi32, #tpu.memory_space<hbm>> -> memref<1x1x1x1x5x80xi32, #tpu.memory_space<hbm>>
        %dma_start3A_472 = tpu.memref_squeeze %dma_start3A_471 : memref<1x1x1x1x5x80xi32, #tpu.memory_space<hbm>> -> memref<5x80xi32, #tpu.memory_space<hbm>>
        %dma_start3A_473 = arith.constant 0 : i32
        %dma_start3A_474 = arith.constant 0 : i32
        %dma_start3A_475 = tpu.memref_slice %arg3[%arg0, %dma_start3A_468, %arg1, %add3A_467, %dma_start3A_473, %dma_start3A_474] : memref<2x2x16x50x5x80xi32, #tpu.memory_space<hbm>> -> memref<1x1x1x1x5x80xi32, #tpu.memory_space<hbm>>
        %dma_start3A_476 = tpu.memref_squeeze %dma_start3A_475 : memref<1x1x1x1x5x80xi32, #tpu.memory_space<hbm>> -> memref<5x80xi32, #tpu.memory_space<hbm>>
        tpu.enqueue_dma source(%dma_start3A_476 : memref<5x80xi32, #tpu.memory_space<hbm>>) target(%arg7 : memref<5x80xi32, #tpu.memory_space<vmem>>) target_semaphore(%arg13 : memref<!tpu.dma_semaphore, #tpu.memory_space<semaphore_mem>>)
        %dma_start3A_477 = arith.constant 0 : i32
        %dma_start3A_478 = arith.constant 0 : i32
        %dma_start3A_479 = arith.constant 0 : i32
        %dma_start3A_480 = tpu.memref_slice %arg3[%arg0, %dma_start3A_477, %arg1, %add3A_467, %dma_start3A_478, %dma_start3A_479] : memref<2x2x16x50x5x80xi32, #tpu.memory_space<hbm>> -> memref<1x1x1x1x5x80xi32, #tpu.memory_space<hbm>>
        %dma_start3A_481 = tpu.memref_squeeze %dma_start3A_480 : memref<1x1x1x1x5x80xi32, #tpu.memory_space<hbm>> -> memref<5x80xi32, #tpu.memory_space<hbm>>
        %dma_start3A_482 = arith.constant 0 : i32
        %dma_start3A_483 = arith.constant 0 : i32
        %dma_start3A_484 = tpu.memref_slice %arg3[%arg0, %dma_start3A_477, %arg1, %add3A_467, %dma_start3A_482, %dma_start3A_483] : memref<2x2x16x50x5x80xi32, #tpu.memory_space<hbm>> -> memref<1x1x1x1x5x80xi32, #tpu.memory_space<hbm>>
        %dma_start3A_485 = tpu.memref_squeeze %dma_start3A_484 : memref<1x1x1x1x5x80xi32, #tpu.memory_space<hbm>> -> memref<5x80xi32, #tpu.memory_space<hbm>>
        tpu.enqueue_dma source(%dma_start3A_485 : memref<5x80xi32, #tpu.memory_space<hbm>>) target(%arg9 : memref<5x80xi32, #tpu.memory_space<vmem>>) target_semaphore(%arg13 : memref<!tpu.dma_semaphore, #tpu.memory_space<semaphore_mem>>)
      } else {
      }
      %dma_start3A_167 = arith.constant 0 : i32
      %dma_start3A_168 = arith.constant 0 : i32
      %dma_start3A_169 = tpu.memref_slice %arg8[%dma_start3A_167, %dma_start3A_168] : memref<5x80xi32, #tpu.memory_space<vmem>> -> memref<1x80xi32, #tpu.memory_space<vmem>>
      %dma_start3A_170 = tpu.memref_squeeze %dma_start3A_169 : memref<1x80xi32, #tpu.memory_space<vmem>> -> memref<80xi32, #tpu.memory_space<vmem>>
      %dma_start3A_171 = arith.constant 0 : i32
      %dma_start3A_172 = arith.constant 0 : i32
      %dma_start3A_173 = tpu.memref_slice %arg12[%dma_start3A_171, %dma_start3A_172] : memref<10000x128xf32, #tpu.memory_space<vmem_shared>> -> memref<10000x128xf32, #tpu.memory_space<vmem_shared>>
      tpu.enqueue_indirect_dma source(%arg10 : memref<80x128xf32, #tpu.memory_space<vmem>>) target(%dma_start3A_173 : memref<10000x128xf32, #tpu.memory_space<vmem_shared>>) offsets(%dma_start3A_170 : memref<80xi32, #tpu.memory_space<vmem>>) semaphore(%arg16 : memref<!tpu.dma_semaphore, #tpu.memory_space<semaphore_mem>>) {add = true}
      %dma_start3A_174 = arith.constant 1 : i32
      %dma_start3A_175 = arith.constant 0 : i32
      %dma_start3A_176 = tpu.memref_slice %arg6[%dma_start3A_174, %dma_start3A_175] : memref<5x80xi32, #tpu.memory_space<vmem>> -> memref<1x80xi32, #tpu.memory_space<vmem>>
      %dma_start3A_177 = tpu.memref_squeeze %dma_start3A_176 : memref<1x80xi32, #tpu.memory_space<vmem>> -> memref<80xi32, #tpu.memory_space<vmem>>
      %dma_start3A_178 = arith.constant 0 : i32
      %dma_start3A_179 = arith.constant 0 : i32
      %dma_start3A_180 = tpu.memref_slice %arg2[%dma_start3A_178, %dma_start3A_179] : memref<10000x128xf32, #tpu.memory_space<hbm>> -> memref<10000x128xf32, #tpu.memory_space<hbm>>
      tpu.enqueue_indirect_dma source(%dma_start3A_180 : memref<10000x128xf32, #tpu.memory_space<hbm>>) target(%arg11 : memref<80x128xf32, #tpu.memory_space<vmem>>) offsets(%dma_start3A_177 : memref<80xi32, #tpu.memory_space<vmem>>) semaphore(%arg15 : memref<!tpu.dma_semaphore, #tpu.memory_space<semaphore_mem>>)
      %dma_wait3A_181 = arith.constant 1 : i32
      %dma_wait3A_182 = arith.constant 0 : i32
      %dma_wait3A_183 = tpu.memref_slice %arg6[%dma_wait3A_181, %dma_wait3A_182] : memref<5x80xi32, #tpu.memory_space<vmem>> -> memref<1x80xi32, #tpu.memory_space<vmem>>
      %dma_wait3A_184 = tpu.memref_squeeze %dma_wait3A_183 : memref<1x80xi32, #tpu.memory_space<vmem>> -> memref<80xi32, #tpu.memory_space<vmem>>
      %dma_wait3A_185 = arith.constant 0 : i32
      %dma_wait3A_186 = arith.constant 0 : i32
      %dma_wait3A_187 = tpu.memref_slice %arg2[%dma_wait3A_185, %dma_wait3A_186] : memref<10000x128xf32, #tpu.memory_space<hbm>> -> memref<10000x128xf32, #tpu.memory_space<hbm>>
      tpu.wait_indirect_dma semaphore(%arg15 : memref<!tpu.dma_semaphore, #tpu.memory_space<semaphore_mem>>) src(%dma_wait3A_187 : memref<10000x128xf32, #tpu.memory_space<hbm>>) dst(%arg11 : memref<80x128xf32, #tpu.memory_space<vmem>>)
      %dma_wait3A_188 = arith.constant 0 : i32
      %dma_wait3A_189 = arith.constant 0 : i32
      %dma_wait3A_190 = tpu.memref_slice %arg8[%dma_wait3A_188, %dma_wait3A_189] : memref<5x80xi32, #tpu.memory_space<vmem>> -> memref<1x80xi32, #tpu.memory_space<vmem>>
      %dma_wait3A_191 = tpu.memref_squeeze %dma_wait3A_190 : memref<1x80xi32, #tpu.memory_space<vmem>> -> memref<80xi32, #tpu.memory_space<vmem>>
      %dma_wait3A_192 = arith.constant 0 : i32
      %dma_wait3A_193 = arith.constant 0 : i32
      %dma_wait3A_194 = tpu.memref_slice %arg12[%dma_wait3A_192, %dma_wait3A_193] : memref<10000x128xf32, #tpu.memory_space<vmem_shared>> -> memref<10000x128xf32, #tpu.memory_space<vmem_shared>>
      tpu.wait_indirect_dma semaphore(%arg16 : memref<!tpu.dma_semaphore, #tpu.memory_space<semaphore_mem>>) src(%arg10 : memref<80x128xf32, #tpu.memory_space<vmem>>) dst(%dma_wait3A_194 : memref<10000x128xf32, #tpu.memory_space<vmem_shared>>)
      %dma_start3A_195 = arith.constant 1 : i32
      %dma_start3A_196 = arith.constant 0 : i32
      %dma_start3A_197 = tpu.memref_slice %arg8[%dma_start3A_195, %dma_start3A_196] : memref<5x80xi32, #tpu.memory_space<vmem>> -> memref<1x80xi32, #tpu.memory_space<vmem>>
      %dma_start3A_198 = tpu.memref_squeeze %dma_start3A_197 : memref<1x80xi32, #tpu.memory_space<vmem>> -> memref<80xi32, #tpu.memory_space<vmem>>
      %dma_start3A_199 = arith.constant 0 : i32
      %dma_start3A_200 = arith.constant 0 : i32
      %dma_start3A_201 = tpu.memref_slice %arg12[%dma_start3A_199, %dma_start3A_200] : memref<10000x128xf32, #tpu.memory_space<vmem_shared>> -> memref<10000x128xf32, #tpu.memory_space<vmem_shared>>
      tpu.enqueue_indirect_dma source(%arg11 : memref<80x128xf32, #tpu.memory_space<vmem>>) target(%dma_start3A_201 : memref<10000x128xf32, #tpu.memory_space<vmem_shared>>) offsets(%dma_start3A_198 : memref<80xi32, #tpu.memory_space<vmem>>) semaphore(%arg17 : memref<!tpu.dma_semaphore, #tpu.memory_space<semaphore_mem>>) {add = true}
      %dma_start3A_202 = arith.constant 2 : i32
      %dma_start3A_203 = arith.constant 0 : i32
      %dma_start3A_204 = tpu.memref_slice %arg6[%dma_start3A_202, %dma_start3A_203] : memref<5x80xi32, #tpu.memory_space<vmem>> -> memref<1x80xi32, #tpu.memory_space<vmem>>
      %dma_start3A_205 = tpu.memref_squeeze %dma_start3A_204 : memref<1x80xi32, #tpu.memory_space<vmem>> -> memref<80xi32, #tpu.memory_space<vmem>>
      %dma_start3A_206 = arith.constant 0 : i32
      %dma_start3A_207 = arith.constant 0 : i32
      %dma_start3A_208 = tpu.memref_slice %arg2[%dma_start3A_206, %dma_start3A_207] : memref<10000x128xf32, #tpu.memory_space<hbm>> -> memref<10000x128xf32, #tpu.memory_space<hbm>>
      tpu.enqueue_indirect_dma source(%dma_start3A_208 : memref<10000x128xf32, #tpu.memory_space<hbm>>) target(%arg10 : memref<80x128xf32, #tpu.memory_space<vmem>>) offsets(%dma_start3A_205 : memref<80xi32, #tpu.memory_space<vmem>>) semaphore(%arg14 : memref<!tpu.dma_semaphore, #tpu.memory_space<semaphore_mem>>)
      %dma_wait3A_209 = arith.constant 2 : i32
      %dma_wait3A_210 = arith.constant 0 : i32
      %dma_wait3A_211 = tpu.memref_slice %arg6[%dma_wait3A_209, %dma_wait3A_210] : memref<5x80xi32, #tpu.memory_space<vmem>> -> memref<1x80xi32, #tpu.memory_space<vmem>>
      %dma_wait3A_212 = tpu.memref_squeeze %dma_wait3A_211 : memref<1x80xi32, #tpu.memory_space<vmem>> -> memref<80xi32, #tpu.memory_space<vmem>>
      %dma_wait3A_213 = arith.constant 0 : i32
      %dma_wait3A_214 = arith.constant 0 : i32
      %dma_wait3A_215 = tpu.memref_slice %arg2[%dma_wait3A_213, %dma_wait3A_214] : memref<10000x128xf32, #tpu.memory_space<hbm>> -> memref<10000x128xf32, #tpu.memory_space<hbm>>
      tpu.wait_indirect_dma semaphore(%arg14 : memref<!tpu.dma_semaphore, #tpu.memory_space<semaphore_mem>>) src(%dma_wait3A_215 : memref<10000x128xf32, #tpu.memory_space<hbm>>) dst(%arg10 : memref<80x128xf32, #tpu.memory_space<vmem>>)
      %dma_wait3A_216 = arith.constant 1 : i32
      %dma_wait3A_217 = arith.constant 0 : i32
      %dma_wait3A_218 = tpu.memref_slice %arg8[%dma_wait3A_216, %dma_wait3A_217] : memref<5x80xi32, #tpu.memory_space<vmem>> -> memref<1x80xi32, #tpu.memory_space<vmem>>
      %dma_wait3A_219 = tpu.memref_squeeze %dma_wait3A_218 : memref<1x80xi32, #tpu.memory_space<vmem>> -> memref<80xi32, #tpu.memory_space<vmem>>
      %dma_wait3A_220 = arith.constant 0 : i32
      %dma_wait3A_221 = arith.constant 0 : i32
      %dma_wait3A_222 = tpu.memref_slice %arg12[%dma_wait3A_220, %dma_wait3A_221] : memref<10000x128xf32, #tpu.memory_space<vmem_shared>> -> memref<10000x128xf32, #tpu.memory_space<vmem_shared>>
      tpu.wait_indirect_dma semaphore(%arg17 : memref<!tpu.dma_semaphore, #tpu.memory_space<semaphore_mem>>) src(%arg11 : memref<80x128xf32, #tpu.memory_space<vmem>>) dst(%dma_wait3A_222 : memref<10000x128xf32, #tpu.memory_space<vmem_shared>>)
      %dma_start3A_223 = arith.constant 2 : i32
      %dma_start3A_224 = arith.constant 0 : i32
      %dma_start3A_225 = tpu.memref_slice %arg8[%dma_start3A_223, %dma_start3A_224] : memref<5x80xi32, #tpu.memory_space<vmem>> -> memref<1x80xi32, #tpu.memory_space<vmem>>
      %dma_start3A_226 = tpu.memref_squeeze %dma_start3A_225 : memref<1x80xi32, #tpu.memory_space<vmem>> -> memref<80xi32, #tpu.memory_space<vmem>>
      %dma_start3A_227 = arith.constant 0 : i32
      %dma_start3A_228 = arith.constant 0 : i32
      %dma_start3A_229 = tpu.memref_slice %arg12[%dma_start3A_227, %dma_start3A_228] : memref<10000x128xf32, #tpu.memory_space<vmem_shared>> -> memref<10000x128xf32, #tpu.memory_space<vmem_shared>>
      tpu.enqueue_indirect_dma source(%arg10 : memref<80x128xf32, #tpu.memory_space<vmem>>) target(%dma_start3A_229 : memref<10000x128xf32, #tpu.memory_space<vmem_shared>>) offsets(%dma_start3A_226 : memref<80xi32, #tpu.memory_space<vmem>>) semaphore(%arg16 : memref<!tpu.dma_semaphore, #tpu.memory_space<semaphore_mem>>) {add = true}
      %dma_start3A_230 = arith.constant 3 : i32
      %dma_start3A_231 = arith.constant 0 : i32
      %dma_start3A_232 = tpu.memref_slice %arg6[%dma_start3A_230, %dma_start3A_231] : memref<5x80xi32, #tpu.memory_space<vmem>> -> memref<1x80xi32, #tpu.memory_space<vmem>>
      %dma_start3A_233 = tpu.memref_squeeze %dma_start3A_232 : memref<1x80xi32, #tpu.memory_space<vmem>> -> memref<80xi32, #tpu.memory_space<vmem>>
      %dma_start3A_234 = arith.constant 0 : i32
      %dma_start3A_235 = arith.constant 0 : i32
      %dma_start3A_236 = tpu.memref_slice %arg2[%dma_start3A_234, %dma_start3A_235] : memref<10000x128xf32, #tpu.memory_space<hbm>> -> memref<10000x128xf32, #tpu.memory_space<hbm>>
      tpu.enqueue_indirect_dma source(%dma_start3A_236 : memref<10000x128xf32, #tpu.memory_space<hbm>>) target(%arg11 : memref<80x128xf32, #tpu.memory_space<vmem>>) offsets(%dma_start3A_233 : memref<80xi32, #tpu.memory_space<vmem>>) semaphore(%arg15 : memref<!tpu.dma_semaphore, #tpu.memory_space<semaphore_mem>>)
      %dma_wait3A_237 = arith.constant 3 : i32
      %dma_wait3A_238 = arith.constant 0 : i32
      %dma_wait3A_239 = tpu.memref_slice %arg6[%dma_wait3A_237, %dma_wait3A_238] : memref<5x80xi32, #tpu.memory_space<vmem>> -> memref<1x80xi32, #tpu.memory_space<vmem>>
      %dma_wait3A_240 = tpu.memref_squeeze %dma_wait3A_239 : memref<1x80xi32, #tpu.memory_space<vmem>> -> memref<80xi32, #tpu.memory_space<vmem>>
      %dma_wait3A_241 = arith.constant 0 : i32
      %dma_wait3A_242 = arith.constant 0 : i32
      %dma_wait3A_243 = tpu.memref_slice %arg2[%dma_wait3A_241, %dma_wait3A_242] : memref<10000x128xf32, #tpu.memory_space<hbm>> -> memref<10000x128xf32, #tpu.memory_space<hbm>>
      tpu.wait_indirect_dma semaphore(%arg15 : memref<!tpu.dma_semaphore, #tpu.memory_space<semaphore_mem>>) src(%dma_wait3A_243 : memref<10000x128xf32, #tpu.memory_space<hbm>>) dst(%arg11 : memref<80x128xf32, #tpu.memory_space<vmem>>)
      %dma_wait3A_244 = arith.constant 2 : i32
      %dma_wait3A_245 = arith.constant 0 : i32
      %dma_wait3A_246 = tpu.memref_slice %arg8[%dma_wait3A_244, %dma_wait3A_245] : memref<5x80xi32, #tpu.memory_space<vmem>> -> memref<1x80xi32, #tpu.memory_space<vmem>>
      %dma_wait3A_247 = tpu.memref_squeeze %dma_wait3A_246 : memref<1x80xi32, #tpu.memory_space<vmem>> -> memref<80xi32, #tpu.memory_space<vmem>>
      %dma_wait3A_248 = arith.constant 0 : i32
      %dma_wait3A_249 = arith.constant 0 : i32
      %dma_wait3A_250 = tpu.memref_slice %arg12[%dma_wait3A_248, %dma_wait3A_249] : memref<10000x128xf32, #tpu.memory_space<vmem_shared>> -> memref<10000x128xf32, #tpu.memory_space<vmem_shared>>
      tpu.wait_indirect_dma semaphore(%arg16 : memref<!tpu.dma_semaphore, #tpu.memory_space<semaphore_mem>>) src(%arg10 : memref<80x128xf32, #tpu.memory_space<vmem>>) dst(%dma_wait3A_250 : memref<10000x128xf32, #tpu.memory_space<vmem_shared>>)
      %dma_start3A_251 = arith.constant 3 : i32
      %dma_start3A_252 = arith.constant 0 : i32
      %dma_start3A_253 = tpu.memref_slice %arg8[%dma_start3A_251, %dma_start3A_252] : memref<5x80xi32, #tpu.memory_space<vmem>> -> memref<1x80xi32, #tpu.memory_space<vmem>>
      %dma_start3A_254 = tpu.memref_squeeze %dma_start3A_253 : memref<1x80xi32, #tpu.memory_space<vmem>> -> memref<80xi32, #tpu.memory_space<vmem>>
      %dma_start3A_255 = arith.constant 0 : i32
      %dma_start3A_256 = arith.constant 0 : i32
      %dma_start3A_257 = tpu.memref_slice %arg12[%dma_start3A_255, %dma_start3A_256] : memref<10000x128xf32, #tpu.memory_space<vmem_shared>> -> memref<10000x128xf32, #tpu.memory_space<vmem_shared>>
      tpu.enqueue_indirect_dma source(%arg11 : memref<80x128xf32, #tpu.memory_space<vmem>>) target(%dma_start3A_257 : memref<10000x128xf32, #tpu.memory_space<vmem_shared>>) offsets(%dma_start3A_254 : memref<80xi32, #tpu.memory_space<vmem>>) semaphore(%arg17 : memref<!tpu.dma_semaphore, #tpu.memory_space<semaphore_mem>>) {add = true}
      %dma_start3A_258 = arith.constant 4 : i32
      %dma_start3A_259 = arith.constant 0 : i32
      %dma_start3A_260 = tpu.memref_slice %arg6[%dma_start3A_258, %dma_start3A_259] : memref<5x80xi32, #tpu.memory_space<vmem>> -> memref<1x80xi32, #tpu.memory_space<vmem>>
      %dma_start3A_261 = tpu.memref_squeeze %dma_start3A_260 : memref<1x80xi32, #tpu.memory_space<vmem>> -> memref<80xi32, #tpu.memory_space<vmem>>
      %dma_start3A_262 = arith.constant 0 : i32
      %dma_start3A_263 = arith.constant 0 : i32
      %dma_start3A_264 = tpu.memref_slice %arg2[%dma_start3A_262, %dma_start3A_263] : memref<10000x128xf32, #tpu.memory_space<hbm>> -> memref<10000x128xf32, #tpu.memory_space<hbm>>
      tpu.enqueue_indirect_dma source(%dma_start3A_264 : memref<10000x128xf32, #tpu.memory_space<hbm>>) target(%arg10 : memref<80x128xf32, #tpu.memory_space<vmem>>) offsets(%dma_start3A_261 : memref<80xi32, #tpu.memory_space<vmem>>) semaphore(%arg14 : memref<!tpu.dma_semaphore, #tpu.memory_space<semaphore_mem>>)
      %dma_wait3A_265 = arith.constant 4 : i32
      %dma_wait3A_266 = arith.constant 0 : i32
      %dma_wait3A_267 = tpu.memref_slice %arg6[%dma_wait3A_265, %dma_wait3A_266] : memref<5x80xi32, #tpu.memory_space<vmem>> -> memref<1x80xi32, #tpu.memory_space<vmem>>
      %dma_wait3A_268 = tpu.memref_squeeze %dma_wait3A_267 : memref<1x80xi32, #tpu.memory_space<vmem>> -> memref<80xi32, #tpu.memory_space<vmem>>
      %dma_wait3A_269 = arith.constant 0 : i32
      %dma_wait3A_270 = arith.constant 0 : i32
      %dma_wait3A_271 = tpu.memref_slice %arg2[%dma_wait3A_269, %dma_wait3A_270] : memref<10000x128xf32, #tpu.memory_space<hbm>> -> memref<10000x128xf32, #tpu.memory_space<hbm>>
      tpu.wait_indirect_dma semaphore(%arg14 : memref<!tpu.dma_semaphore, #tpu.memory_space<semaphore_mem>>) src(%dma_wait3A_271 : memref<10000x128xf32, #tpu.memory_space<hbm>>) dst(%arg10 : memref<80x128xf32, #tpu.memory_space<vmem>>)
      %dma_wait3A_272 = arith.constant 3 : i32
      %dma_wait3A_273 = arith.constant 0 : i32
      %dma_wait3A_274 = tpu.memref_slice %arg8[%dma_wait3A_272, %dma_wait3A_273] : memref<5x80xi32, #tpu.memory_space<vmem>> -> memref<1x80xi32, #tpu.memory_space<vmem>>
      %dma_wait3A_275 = tpu.memref_squeeze %dma_wait3A_274 : memref<1x80xi32, #tpu.memory_space<vmem>> -> memref<80xi32, #tpu.memory_space<vmem>>
      %dma_wait3A_276 = arith.constant 0 : i32
      %dma_wait3A_277 = arith.constant 0 : i32
      %dma_wait3A_278 = tpu.memref_slice %arg12[%dma_wait3A_276, %dma_wait3A_277] : memref<10000x128xf32, #tpu.memory_space<vmem_shared>> -> memref<10000x128xf32, #tpu.memory_space<vmem_shared>>
      tpu.wait_indirect_dma semaphore(%arg17 : memref<!tpu.dma_semaphore, #tpu.memory_space<semaphore_mem>>) src(%arg11 : memref<80x128xf32, #tpu.memory_space<vmem>>) dst(%dma_wait3A_278 : memref<10000x128xf32, #tpu.memory_space<vmem_shared>>)
      %dma_start3A_279 = arith.constant 4 : i32
      %dma_start3A_280 = arith.constant 0 : i32
      %dma_start3A_281 = tpu.memref_slice %arg8[%dma_start3A_279, %dma_start3A_280] : memref<5x80xi32, #tpu.memory_space<vmem>> -> memref<1x80xi32, #tpu.memory_space<vmem>>
      %dma_start3A_282 = tpu.memref_squeeze %dma_start3A_281 : memref<1x80xi32, #tpu.memory_space<vmem>> -> memref<80xi32, #tpu.memory_space<vmem>>
      %dma_start3A_283 = arith.constant 0 : i32
      %dma_start3A_284 = arith.constant 0 : i32
      %dma_start3A_285 = tpu.memref_slice %arg12[%dma_start3A_283, %dma_start3A_284] : memref<10000x128xf32, #tpu.memory_space<vmem_shared>> -> memref<10000x128xf32, #tpu.memory_space<vmem_shared>>
      tpu.enqueue_indirect_dma source(%arg10 : memref<80x128xf32, #tpu.memory_space<vmem>>) target(%dma_start3A_285 : memref<10000x128xf32, #tpu.memory_space<vmem_shared>>) offsets(%dma_start3A_282 : memref<80xi32, #tpu.memory_space<vmem>>) semaphore(%arg16 : memref<!tpu.dma_semaphore, #tpu.memory_space<semaphore_mem>>) {add = true}
      %add3A_286 = arith.constant 1 : i32
      %add3A_287 = arith.addi %add3A_155, %add3A_286 : i32
      %dma_wait3A_288 = arith.constant 1 : i32
      %dma_wait3A_289 = arith.constant 0 : i32
      %dma_wait3A_290 = arith.constant 0 : i32
      %dma_wait3A_291 = tpu.memref_slice %arg3[%arg0, %dma_wait3A_288, %arg1, %add3A_287, %dma_wait3A_289, %dma_wait3A_290] : memref<2x2x16x50x5x80xi32, #tpu.memory_space<hbm>> -> memref<1x1x1x1x5x80xi32, #tpu.memory_space<hbm>>
      %dma_wait3A_292 = tpu.memref_squeeze %dma_wait3A_291 : memref<1x1x1x1x5x80xi32, #tpu.memory_space<hbm>> -> memref<5x80xi32, #tpu.memory_space<hbm>>
      %dma_wait3A_293 = arith.constant 0 : i32
      %dma_wait3A_294 = arith.constant 0 : i32
      %dma_wait3A_295 = tpu.memref_slice %arg3[%arg0, %dma_wait3A_288, %arg1, %add3A_287, %dma_wait3A_293, %dma_wait3A_294] : memref<2x2x16x50x5x80xi32, #tpu.memory_space<hbm>> -> memref<1x1x1x1x5x80xi32, #tpu.memory_space<hbm>>
      %dma_wait3A_296 = tpu.memref_squeeze %dma_wait3A_295 : memref<1x1x1x1x5x80xi32, #tpu.memory_space<hbm>> -> memref<5x80xi32, #tpu.memory_space<hbm>>
      tpu.wait_dma2 semaphore(%arg13 : memref<!tpu.dma_semaphore, #tpu.memory_space<semaphore_mem>>) src(%dma_wait3A_296 : memref<5x80xi32, #tpu.memory_space<hbm>>) dst(%arg7 : memref<5x80xi32, #tpu.memory_space<vmem>>)
      %dma_wait3A_297 = arith.constant 0 : i32
      %dma_wait3A_298 = arith.constant 0 : i32
      %dma_wait3A_299 = arith.constant 0 : i32
      %dma_wait3A_300 = tpu.memref_slice %arg3[%arg0, %dma_wait3A_297, %arg1, %add3A_287, %dma_wait3A_298, %dma_wait3A_299] : memref<2x2x16x50x5x80xi32, #tpu.memory_space<hbm>> -> memref<1x1x1x1x5x80xi32, #tpu.memory_space<hbm>>
      %dma_wait3A_301 = tpu.memref_squeeze %dma_wait3A_300 : memref<1x1x1x1x5x80xi32, #tpu.memory_space<hbm>> -> memref<5x80xi32, #tpu.memory_space<hbm>>
      %dma_wait3A_302 = arith.constant 0 : i32
      %dma_wait3A_303 = arith.constant 0 : i32
      %dma_wait3A_304 = tpu.memref_slice %arg3[%arg0, %dma_wait3A_297, %arg1, %add3A_287, %dma_wait3A_302, %dma_wait3A_303] : memref<2x2x16x50x5x80xi32, #tpu.memory_space<hbm>> -> memref<1x1x1x1x5x80xi32, #tpu.memory_space<hbm>>
      %dma_wait3A_305 = tpu.memref_squeeze %dma_wait3A_304 : memref<1x1x1x1x5x80xi32, #tpu.memory_space<hbm>> -> memref<5x80xi32, #tpu.memory_space<hbm>>
      tpu.wait_dma2 semaphore(%arg13 : memref<!tpu.dma_semaphore, #tpu.memory_space<semaphore_mem>>) src(%dma_wait3A_305 : memref<5x80xi32, #tpu.memory_space<hbm>>) dst(%arg9 : memref<5x80xi32, #tpu.memory_space<vmem>>)
      %dma_start3A_306 = arith.constant 0 : i32
      %dma_start3A_307 = arith.constant 0 : i32
      %dma_start3A_308 = tpu.memref_slice %arg7[%dma_start3A_306, %dma_start3A_307] : memref<5x80xi32, #tpu.memory_space<vmem>> -> memref<1x80xi32, #tpu.memory_space<vmem>>
      %dma_start3A_309 = tpu.memref_squeeze %dma_start3A_308 : memref<1x80xi32, #tpu.memory_space<vmem>> -> memref<80xi32, #tpu.memory_space<vmem>>
      %dma_start3A_310 = arith.constant 0 : i32
      %dma_start3A_311 = arith.constant 0 : i32
      %dma_start3A_312 = tpu.memref_slice %arg2[%dma_start3A_310, %dma_start3A_311] : memref<10000x128xf32, #tpu.memory_space<hbm>> -> memref<10000x128xf32, #tpu.memory_space<hbm>>
      tpu.enqueue_indirect_dma source(%dma_start3A_312 : memref<10000x128xf32, #tpu.memory_space<hbm>>) target(%arg11 : memref<80x128xf32, #tpu.memory_space<vmem>>) offsets(%dma_start3A_309 : memref<80xi32, #tpu.memory_space<vmem>>) semaphore(%arg15 : memref<!tpu.dma_semaphore, #tpu.memory_space<semaphore_mem>>)
      %mul3A_313 = arith.constant 2 : i32
      %mul3A_314 = arith.muli %mul3A_313, %scan3A_151 : i32
      %add3A_315 = arith.constant 1 : i32
      %add3A_316 = arith.addi %mul3A_314, %add3A_315 : i32
      %dma_wait3A_317 = arith.constant 0 : i32
      %dma_wait3A_318 = arith.constant 0 : i32
      %dma_wait3A_319 = tpu.memref_slice %arg7[%dma_wait3A_317, %dma_wait3A_318] : memref<5x80xi32, #tpu.memory_space<vmem>> -> memref<1x80xi32, #tpu.memory_space<vmem>>
      %dma_wait3A_320 = tpu.memref_squeeze %dma_wait3A_319 : memref<1x80xi32, #tpu.memory_space<vmem>> -> memref<80xi32, #tpu.memory_space<vmem>>
      %dma_wait3A_321 = arith.constant 0 : i32
      %dma_wait3A_322 = arith.constant 0 : i32
      %dma_wait3A_323 = tpu.memref_slice %arg2[%dma_wait3A_321, %dma_wait3A_322] : memref<10000x128xf32, #tpu.memory_space<hbm>> -> memref<10000x128xf32, #tpu.memory_space<hbm>>
      tpu.wait_indirect_dma semaphore(%arg15 : memref<!tpu.dma_semaphore, #tpu.memory_space<semaphore_mem>>) src(%dma_wait3A_323 : memref<10000x128xf32, #tpu.memory_space<hbm>>) dst(%arg11 : memref<80x128xf32, #tpu.memory_space<vmem>>)
      %dma_wait3A_324 = arith.constant 4 : i32
      %dma_wait3A_325 = arith.constant 0 : i32
      %dma_wait3A_326 = tpu.memref_slice %arg8[%dma_wait3A_324, %dma_wait3A_325] : memref<5x80xi32, #tpu.memory_space<vmem>> -> memref<1x80xi32, #tpu.memory_space<vmem>>
      %dma_wait3A_327 = tpu.memref_squeeze %dma_wait3A_326 : memref<1x80xi32, #tpu.memory_space<vmem>> -> memref<80xi32, #tpu.memory_space<vmem>>
      %dma_wait3A_328 = arith.constant 0 : i32
      %dma_wait3A_329 = arith.constant 0 : i32
      %dma_wait3A_330 = tpu.memref_slice %arg12[%dma_wait3A_328, %dma_wait3A_329] : memref<10000x128xf32, #tpu.memory_space<vmem_shared>> -> memref<10000x128xf32, #tpu.memory_space<vmem_shared>>
      tpu.wait_indirect_dma semaphore(%arg16 : memref<!tpu.dma_semaphore, #tpu.memory_space<semaphore_mem>>) src(%arg10 : memref<80x128xf32, #tpu.memory_space<vmem>>) dst(%dma_wait3A_330 : memref<10000x128xf32, #tpu.memory_space<vmem_shared>>)
      %lt3A = arith.constant 24 : i32
      %lt3A_331 = arith.cmpi slt, %scan3A_151, %lt3A : i32
      %convert_element_type3A_332 = arith.extui %lt3A_331 : i1 to i32
      %cond3A_333 = arith.constant 0 : i32
      %cond3A_334 = arith.cmpi ne, %convert_element_type3A_332, %cond3A_333 : i32
      scf.if %cond3A_334 {
        %add3A_459 = arith.constant 1 : i32
        %add3A_460 = arith.addi %add3A_316, %add3A_459 : i32
        %dma_start3A_461 = arith.constant 1 : i32
        %dma_start3A_462 = arith.constant 0 : i32
        %dma_start3A_463 = arith.constant 0 : i32
        %dma_start3A_464 = tpu.memref_slice %arg3[%arg0, %dma_start3A_461, %arg1, %add3A_460, %dma_start3A_462, %dma_start3A_463] : memref<2x2x16x50x5x80xi32, #tpu.memory_space<hbm>> -> memref<1x1x1x1x5x80xi32, #tpu.memory_space<hbm>>
        %dma_start3A_465 = tpu.memref_squeeze %dma_start3A_464 : memref<1x1x1x1x5x80xi32, #tpu.memory_space<hbm>> -> memref<5x80xi32, #tpu.memory_space<hbm>>
        %dma_start3A_466 = arith.constant 0 : i32
        %dma_start3A_467 = arith.constant 0 : i32
        %dma_start3A_468 = tpu.memref_slice %arg3[%arg0, %dma_start3A_461, %arg1, %add3A_460, %dma_start3A_466, %dma_start3A_467] : memref<2x2x16x50x5x80xi32, #tpu.memory_space<hbm>> -> memref<1x1x1x1x5x80xi32, #tpu.memory_space<hbm>>
        %dma_start3A_469 = tpu.memref_squeeze %dma_start3A_468 : memref<1x1x1x1x5x80xi32, #tpu.memory_space<hbm>> -> memref<5x80xi32, #tpu.memory_space<hbm>>
        tpu.enqueue_dma source(%dma_start3A_469 : memref<5x80xi32, #tpu.memory_space<hbm>>) target(%arg6 : memref<5x80xi32, #tpu.memory_space<vmem>>) target_semaphore(%arg13 : memref<!tpu.dma_semaphore, #tpu.memory_space<semaphore_mem>>)
        %dma_start3A_470 = arith.constant 0 : i32
        %dma_start3A_471 = arith.constant 0 : i32
        %dma_start3A_472 = arith.constant 0 : i32
        %dma_start3A_473 = tpu.memref_slice %arg3[%arg0, %dma_start3A_470, %arg1, %add3A_460, %dma_start3A_471, %dma_start3A_472] : memref<2x2x16x50x5x80xi32, #tpu.memory_space<hbm>> -> memref<1x1x1x1x5x80xi32, #tpu.memory_space<hbm>>
        %dma_start3A_474 = tpu.memref_squeeze %dma_start3A_473 : memref<1x1x1x1x5x80xi32, #tpu.memory_space<hbm>> -> memref<5x80xi32, #tpu.memory_space<hbm>>
        %dma_start3A_475 = arith.constant 0 : i32
        %dma_start3A_476 = arith.constant 0 : i32
        %dma_start3A_477 = tpu.memref_slice %arg3[%arg0, %dma_start3A_470, %arg1, %add3A_460, %dma_start3A_475, %dma_start3A_476] : memref<2x2x16x50x5x80xi32, #tpu.memory_space<hbm>> -> memref<1x1x1x1x5x80xi32, #tpu.memory_space<hbm>>
        %dma_start3A_478 = tpu.memref_squeeze %dma_start3A_477 : memref<1x1x1x1x5x80xi32, #tpu.memory_space<hbm>> -> memref<5x80xi32, #tpu.memory_space<hbm>>
        tpu.enqueue_dma source(%dma_start3A_478 : memref<5x80xi32, #tpu.memory_space<hbm>>) target(%arg8 : memref<5x80xi32, #tpu.memory_space<vmem>>) target_semaphore(%arg13 : memref<!tpu.dma_semaphore, #tpu.memory_space<semaphore_mem>>)
      } else {
      }
      %dma_start3A_335 = arith.constant 0 : i32
      %dma_start3A_336 = arith.constant 0 : i32
      %dma_start3A_337 = tpu.memref_slice %arg9[%dma_start3A_335, %dma_start3A_336] : memref<5x80xi32, #tpu.memory_space<vmem>> -> memref<1x80xi32, #tpu.memory_space<vmem>>
      %dma_start3A_338 = tpu.memref_squeeze %dma_start3A_337 : memref<1x80xi32, #tpu.memory_space<vmem>> -> memref<80xi32, #tpu.memory_space<vmem>>
      %dma_start3A_339 = arith.constant 0 : i32
      %dma_start3A_340 = arith.constant 0 : i32
      %dma_start3A_341 = tpu.memref_slice %arg12[%dma_start3A_339, %dma_start3A_340] : memref<10000x128xf32, #tpu.memory_space<vmem_shared>> -> memref<10000x128xf32, #tpu.memory_space<vmem_shared>>
      tpu.enqueue_indirect_dma source(%arg11 : memref<80x128xf32, #tpu.memory_space<vmem>>) target(%dma_start3A_341 : memref<10000x128xf32, #tpu.memory_space<vmem_shared>>) offsets(%dma_start3A_338 : memref<80xi32, #tpu.memory_space<vmem>>) semaphore(%arg17 : memref<!tpu.dma_semaphore, #tpu.memory_space<semaphore_mem>>) {add = true}
      %dma_start3A_342 = arith.constant 1 : i32
      %dma_start3A_343 = arith.constant 0 : i32
      %dma_start3A_344 = tpu.memref_slice %arg7[%dma_start3A_342, %dma_start3A_343] : memref<5x80xi32, #tpu.memory_space<vmem>> -> memref<1x80xi32, #tpu.memory_space<vmem>>
      %dma_start3A_345 = tpu.memref_squeeze %dma_start3A_344 : memref<1x80xi32, #tpu.memory_space<vmem>> -> memref<80xi32, #tpu.memory_space<vmem>>
      %dma_start3A_346 = arith.constant 0 : i32
      %dma_start3A_347 = arith.constant 0 : i32
      %dma_start3A_348 = tpu.memref_slice %arg2[%dma_start3A_346, %dma_start3A_347] : memref<10000x128xf32, #tpu.memory_space<hbm>> -> memref<10000x128xf32, #tpu.memory_space<hbm>>
      tpu.enqueue_indirect_dma source(%dma_start3A_348 : memref<10000x128xf32, #tpu.memory_space<hbm>>) target(%arg10 : memref<80x128xf32, #tpu.memory_space<vmem>>) offsets(%dma_start3A_345 : memref<80xi32, #tpu.memory_space<vmem>>) semaphore(%arg14 : memref<!tpu.dma_semaphore, #tpu.memory_space<semaphore_mem>>)
      %dma_wait3A_349 = arith.constant 1 : i32
      %dma_wait3A_350 = arith.constant 0 : i32
      %dma_wait3A_351 = tpu.memref_slice %arg7[%dma_wait3A_349, %dma_wait3A_350] : memref<5x80xi32, #tpu.memory_space<vmem>> -> memref<1x80xi32, #tpu.memory_space<vmem>>
      %dma_wait3A_352 = tpu.memref_squeeze %dma_wait3A_351 : memref<1x80xi32, #tpu.memory_space<vmem>> -> memref<80xi32, #tpu.memory_space<vmem>>
      %dma_wait3A_353 = arith.constant 0 : i32
      %dma_wait3A_354 = arith.constant 0 : i32
      %dma_wait3A_355 = tpu.memref_slice %arg2[%dma_wait3A_353, %dma_wait3A_354] : memref<10000x128xf32, #tpu.memory_space<hbm>> -> memref<10000x128xf32, #tpu.memory_space<hbm>>
      tpu.wait_indirect_dma semaphore(%arg14 : memref<!tpu.dma_semaphore, #tpu.memory_space<semaphore_mem>>) src(%dma_wait3A_355 : memref<10000x128xf32, #tpu.memory_space<hbm>>) dst(%arg10 : memref<80x128xf32, #tpu.memory_space<vmem>>)
      %dma_wait3A_356 = arith.constant 0 : i32
      %dma_wait3A_357 = arith.constant 0 : i32
      %dma_wait3A_358 = tpu.memref_slice %arg9[%dma_wait3A_356, %dma_wait3A_357] : memref<5x80xi32, #tpu.memory_space<vmem>> -> memref<1x80xi32, #tpu.memory_space<vmem>>
      %dma_wait3A_359 = tpu.memref_squeeze %dma_wait3A_358 : memref<1x80xi32, #tpu.memory_space<vmem>> -> memref<80xi32, #tpu.memory_space<vmem>>
      %dma_wait3A_360 = arith.constant 0 : i32
      %dma_wait3A_361 = arith.constant 0 : i32
      %dma_wait3A_362 = tpu.memref_slice %arg12[%dma_wait3A_360, %dma_wait3A_361] : memref<10000x128xf32, #tpu.memory_space<vmem_shared>> -> memref<10000x128xf32, #tpu.memory_space<vmem_shared>>
      tpu.wait_indirect_dma semaphore(%arg17 : memref<!tpu.dma_semaphore, #tpu.memory_space<semaphore_mem>>) src(%arg11 : memref<80x128xf32, #tpu.memory_space<vmem>>) dst(%dma_wait3A_362 : memref<10000x128xf32, #tpu.memory_space<vmem_shared>>)
      %dma_start3A_363 = arith.constant 1 : i32
      %dma_start3A_364 = arith.constant 0 : i32
      %dma_start3A_365 = tpu.memref_slice %arg9[%dma_start3A_363, %dma_start3A_364] : memref<5x80xi32, #tpu.memory_space<vmem>> -> memref<1x80xi32, #tpu.memory_space<vmem>>
      %dma_start3A_366 = tpu.memref_squeeze %dma_start3A_365 : memref<1x80xi32, #tpu.memory_space<vmem>> -> memref<80xi32, #tpu.memory_space<vmem>>
      %dma_start3A_367 = arith.constant 0 : i32
      %dma_start3A_368 = arith.constant 0 : i32
      %dma_start3A_369 = tpu.memref_slice %arg12[%dma_start3A_367, %dma_start3A_368] : memref<10000x128xf32, #tpu.memory_space<vmem_shared>> -> memref<10000x128xf32, #tpu.memory_space<vmem_shared>>
      tpu.enqueue_indirect_dma source(%arg10 : memref<80x128xf32, #tpu.memory_space<vmem>>) target(%dma_start3A_369 : memref<10000x128xf32, #tpu.memory_space<vmem_shared>>) offsets(%dma_start3A_366 : memref<80xi32, #tpu.memory_space<vmem>>) semaphore(%arg16 : memref<!tpu.dma_semaphore, #tpu.memory_space<semaphore_mem>>) {add = true}
      %dma_start3A_370 = arith.constant 2 : i32
      %dma_start3A_371 = arith.constant 0 : i32
      %dma_start3A_372 = tpu.memref_slice %arg7[%dma_start3A_370, %dma_start3A_371] : memref<5x80xi32, #tpu.memory_space<vmem>> -> memref<1x80xi32, #tpu.memory_space<vmem>>
      %dma_start3A_373 = tpu.memref_squeeze %dma_start3A_372 : memref<1x80xi32, #tpu.memory_space<vmem>> -> memref<80xi32, #tpu.memory_space<vmem>>
      %dma_start3A_374 = arith.constant 0 : i32
      %dma_start3A_375 = arith.constant 0 : i32
      %dma_start3A_376 = tpu.memref_slice %arg2[%dma_start3A_374, %dma_start3A_375] : memref<10000x128xf32, #tpu.memory_space<hbm>> -> memref<10000x128xf32, #tpu.memory_space<hbm>>
      tpu.enqueue_indirect_dma source(%dma_start3A_376 : memref<10000x128xf32, #tpu.memory_space<hbm>>) target(%arg11 : memref<80x128xf32, #tpu.memory_space<vmem>>) offsets(%dma_start3A_373 : memref<80xi32, #tpu.memory_space<vmem>>) semaphore(%arg15 : memref<!tpu.dma_semaphore, #tpu.memory_space<semaphore_mem>>)
      %dma_wait3A_377 = arith.constant 2 : i32
      %dma_wait3A_378 = arith.constant 0 : i32
      %dma_wait3A_379 = tpu.memref_slice %arg7[%dma_wait3A_377, %dma_wait3A_378] : memref<5x80xi32, #tpu.memory_space<vmem>> -> memref<1x80xi32, #tpu.memory_space<vmem>>
      %dma_wait3A_380 = tpu.memref_squeeze %dma_wait3A_379 : memref<1x80xi32, #tpu.memory_space<vmem>> -> memref<80xi32, #tpu.memory_space<vmem>>
      %dma_wait3A_381 = arith.constant 0 : i32
      %dma_wait3A_382 = arith.constant 0 : i32
      %dma_wait3A_383 = tpu.memref_slice %arg2[%dma_wait3A_381, %dma_wait3A_382] : memref<10000x128xf32, #tpu.memory_space<hbm>> -> memref<10000x128xf32, #tpu.memory_space<hbm>>
      tpu.wait_indirect_dma semaphore(%arg15 : memref<!tpu.dma_semaphore, #tpu.memory_space<semaphore_mem>>) src(%dma_wait3A_383 : memref<10000x128xf32, #tpu.memory_space<hbm>>) dst(%arg11 : memref<80x128xf32, #tpu.memory_space<vmem>>)
      %dma_wait3A_384 = arith.constant 1 : i32
      %dma_wait3A_385 = arith.constant 0 : i32
      %dma_wait3A_386 = tpu.memref_slice %arg9[%dma_wait3A_384, %dma_wait3A_385] : memref<5x80xi32, #tpu.memory_space<vmem>> -> memref<1x80xi32, #tpu.memory_space<vmem>>
      %dma_wait3A_387 = tpu.memref_squeeze %dma_wait3A_386 : memref<1x80xi32, #tpu.memory_space<vmem>> -> memref<80xi32, #tpu.memory_space<vmem>>
      %dma_wait3A_388 = arith.constant 0 : i32
      %dma_wait3A_389 = arith.constant 0 : i32
      %dma_wait3A_390 = tpu.memref_slice %arg12[%dma_wait3A_388, %dma_wait3A_389] : memref<10000x128xf32, #tpu.memory_space<vmem_shared>> -> memref<10000x128xf32, #tpu.memory_space<vmem_shared>>
      tpu.wait_indirect_dma semaphore(%arg16 : memref<!tpu.dma_semaphore, #tpu.memory_space<semaphore_mem>>) src(%arg10 : memref<80x128xf32, #tpu.memory_space<vmem>>) dst(%dma_wait3A_390 : memref<10000x128xf32, #tpu.memory_space<vmem_shared>>)
      %dma_start3A_391 = arith.constant 2 : i32
      %dma_start3A_392 = arith.constant 0 : i32
      %dma_start3A_393 = tpu.memref_slice %arg9[%dma_start3A_391, %dma_start3A_392] : memref<5x80xi32, #tpu.memory_space<vmem>> -> memref<1x80xi32, #tpu.memory_space<vmem>>
      %dma_start3A_394 = tpu.memref_squeeze %dma_start3A_393 : memref<1x80xi32, #tpu.memory_space<vmem>> -> memref<80xi32, #tpu.memory_space<vmem>>
      %dma_start3A_395 = arith.constant 0 : i32
      %dma_start3A_396 = arith.constant 0 : i32
      %dma_start3A_397 = tpu.memref_slice %arg12[%dma_start3A_395, %dma_start3A_396] : memref<10000x128xf32, #tpu.memory_space<vmem_shared>> -> memref<10000x128xf32, #tpu.memory_space<vmem_shared>>
      tpu.enqueue_indirect_dma source(%arg11 : memref<80x128xf32, #tpu.memory_space<vmem>>) target(%dma_start3A_397 : memref<10000x128xf32, #tpu.memory_space<vmem_shared>>) offsets(%dma_start3A_394 : memref<80xi32, #tpu.memory_space<vmem>>) semaphore(%arg17 : memref<!tpu.dma_semaphore, #tpu.memory_space<semaphore_mem>>) {add = true}
      %dma_start3A_398 = arith.constant 3 : i32
      %dma_start3A_399 = arith.constant 0 : i32
      %dma_start3A_400 = tpu.memref_slice %arg7[%dma_start3A_398, %dma_start3A_399] : memref<5x80xi32, #tpu.memory_space<vmem>> -> memref<1x80xi32, #tpu.memory_space<vmem>>
      %dma_start3A_401 = tpu.memref_squeeze %dma_start3A_400 : memref<1x80xi32, #tpu.memory_space<vmem>> -> memref<80xi32, #tpu.memory_space<vmem>>
      %dma_start3A_402 = arith.constant 0 : i32
      %dma_start3A_403 = arith.constant 0 : i32
      %dma_start3A_404 = tpu.memref_slice %arg2[%dma_start3A_402, %dma_start3A_403] : memref<10000x128xf32, #tpu.memory_space<hbm>> -> memref<10000x128xf32, #tpu.memory_space<hbm>>
      tpu.enqueue_indirect_dma source(%dma_start3A_404 : memref<10000x128xf32, #tpu.memory_space<hbm>>) target(%arg10 : memref<80x128xf32, #tpu.memory_space<vmem>>) offsets(%dma_start3A_401 : memref<80xi32, #tpu.memory_space<vmem>>) semaphore(%arg14 : memref<!tpu.dma_semaphore, #tpu.memory_space<semaphore_mem>>)
      %dma_wait3A_405 = arith.constant 3 : i32
      %dma_wait3A_406 = arith.constant 0 : i32
      %dma_wait3A_407 = tpu.memref_slice %arg7[%dma_wait3A_405, %dma_wait3A_406] : memref<5x80xi32, #tpu.memory_space<vmem>> -> memref<1x80xi32, #tpu.memory_space<vmem>>
      %dma_wait3A_408 = tpu.memref_squeeze %dma_wait3A_407 : memref<1x80xi32, #tpu.memory_space<vmem>> -> memref<80xi32, #tpu.memory_space<vmem>>
      %dma_wait3A_409 = arith.constant 0 : i32
      %dma_wait3A_410 = arith.constant 0 : i32
      %dma_wait3A_411 = tpu.memref_slice %arg2[%dma_wait3A_409, %dma_wait3A_410] : memref<10000x128xf32, #tpu.memory_space<hbm>> -> memref<10000x128xf32, #tpu.memory_space<hbm>>
      tpu.wait_indirect_dma semaphore(%arg14 : memref<!tpu.dma_semaphore, #tpu.memory_space<semaphore_mem>>) src(%dma_wait3A_411 : memref<10000x128xf32, #tpu.memory_space<hbm>>) dst(%arg10 : memref<80x128xf32, #tpu.memory_space<vmem>>)
      %dma_wait3A_412 = arith.constant 2 : i32
      %dma_wait3A_413 = arith.constant 0 : i32
      %dma_wait3A_414 = tpu.memref_slice %arg9[%dma_wait3A_412, %dma_wait3A_413] : memref<5x80xi32, #tpu.memory_space<vmem>> -> memref<1x80xi32, #tpu.memory_space<vmem>>
      %dma_wait3A_415 = tpu.memref_squeeze %dma_wait3A_414 : memref<1x80xi32, #tpu.memory_space<vmem>> -> memref<80xi32, #tpu.memory_space<vmem>>
      %dma_wait3A_416 = arith.constant 0 : i32
      %dma_wait3A_417 = arith.constant 0 : i32
      %dma_wait3A_418 = tpu.memref_slice %arg12[%dma_wait3A_416, %dma_wait3A_417] : memref<10000x128xf32, #tpu.memory_space<vmem_shared>> -> memref<10000x128xf32, #tpu.memory_space<vmem_shared>>
      tpu.wait_indirect_dma semaphore(%arg17 : memref<!tpu.dma_semaphore, #tpu.memory_space<semaphore_mem>>) src(%arg11 : memref<80x128xf32, #tpu.memory_space<vmem>>) dst(%dma_wait3A_418 : memref<10000x128xf32, #tpu.memory_space<vmem_shared>>)
      %dma_start3A_419 = arith.constant 3 : i32
      %dma_start3A_420 = arith.constant 0 : i32
      %dma_start3A_421 = tpu.memref_slice %arg9[%dma_start3A_419, %dma_start3A_420] : memref<5x80xi32, #tpu.memory_space<vmem>> -> memref<1x80xi32, #tpu.memory_space<vmem>>
      %dma_start3A_422 = tpu.memref_squeeze %dma_start3A_421 : memref<1x80xi32, #tpu.memory_space<vmem>> -> memref<80xi32, #tpu.memory_space<vmem>>
      %dma_start3A_423 = arith.constant 0 : i32
      %dma_start3A_424 = arith.constant 0 : i32
      %dma_start3A_425 = tpu.memref_slice %arg12[%dma_start3A_423, %dma_start3A_424] : memref<10000x128xf32, #tpu.memory_space<vmem_shared>> -> memref<10000x128xf32, #tpu.memory_space<vmem_shared>>
      tpu.enqueue_indirect_dma source(%arg10 : memref<80x128xf32, #tpu.memory_space<vmem>>) target(%dma_start3A_425 : memref<10000x128xf32, #tpu.memory_space<vmem_shared>>) offsets(%dma_start3A_422 : memref<80xi32, #tpu.memory_space<vmem>>) semaphore(%arg16 : memref<!tpu.dma_semaphore, #tpu.memory_space<semaphore_mem>>) {add = true}
      %dma_start3A_426 = arith.constant 4 : i32
      %dma_start3A_427 = arith.constant 0 : i32
      %dma_start3A_428 = tpu.memref_slice %arg7[%dma_start3A_426, %dma_start3A_427] : memref<5x80xi32, #tpu.memory_space<vmem>> -> memref<1x80xi32, #tpu.memory_space<vmem>>
      %dma_start3A_429 = tpu.memref_squeeze %dma_start3A_428 : memref<1x80xi32, #tpu.memory_space<vmem>> -> memref<80xi32, #tpu.memory_space<vmem>>
      %dma_start3A_430 = arith.constant 0 : i32
      %dma_start3A_431 = arith.constant 0 : i32
      %dma_start3A_432 = tpu.memref_slice %arg2[%dma_start3A_430, %dma_start3A_431] : memref<10000x128xf32, #tpu.memory_space<hbm>> -> memref<10000x128xf32, #tpu.memory_space<hbm>>
      tpu.enqueue_indirect_dma source(%dma_start3A_432 : memref<10000x128xf32, #tpu.memory_space<hbm>>) target(%arg11 : memref<80x128xf32, #tpu.memory_space<vmem>>) offsets(%dma_start3A_429 : memref<80xi32, #tpu.memory_space<vmem>>) semaphore(%arg15 : memref<!tpu.dma_semaphore, #tpu.memory_space<semaphore_mem>>)
      %dma_wait3A_433 = arith.constant 4 : i32
      %dma_wait3A_434 = arith.constant 0 : i32
      %dma_wait3A_435 = tpu.memref_slice %arg7[%dma_wait3A_433, %dma_wait3A_434] : memref<5x80xi32, #tpu.memory_space<vmem>> -> memref<1x80xi32, #tpu.memory_space<vmem>>
      %dma_wait3A_436 = tpu.memref_squeeze %dma_wait3A_435 : memref<1x80xi32, #tpu.memory_space<vmem>> -> memref<80xi32, #tpu.memory_space<vmem>>
      %dma_wait3A_437 = arith.constant 0 : i32
      %dma_wait3A_438 = arith.constant 0 : i32
      %dma_wait3A_439 = tpu.memref_slice %arg2[%dma_wait3A_437, %dma_wait3A_438] : memref<10000x128xf32, #tpu.memory_space<hbm>> -> memref<10000x128xf32, #tpu.memory_space<hbm>>
      tpu.wait_indirect_dma semaphore(%arg15 : memref<!tpu.dma_semaphore, #tpu.memory_space<semaphore_mem>>) src(%dma_wait3A_439 : memref<10000x128xf32, #tpu.memory_space<hbm>>) dst(%arg11 : memref<80x128xf32, #tpu.memory_space<vmem>>)
      %dma_wait3A_440 = arith.constant 3 : i32
      %dma_wait3A_441 = arith.constant 0 : i32
      %dma_wait3A_442 = tpu.memref_slice %arg9[%dma_wait3A_440, %dma_wait3A_441] : memref<5x80xi32, #tpu.memory_space<vmem>> -> memref<1x80xi32, #tpu.memory_space<vmem>>
      %dma_wait3A_443 = tpu.memref_squeeze %dma_wait3A_442 : memref<1x80xi32, #tpu.memory_space<vmem>> -> memref<80xi32, #tpu.memory_space<vmem>>
      %dma_wait3A_444 = arith.constant 0 : i32
      %dma_wait3A_445 = arith.constant 0 : i32
      %dma_wait3A_446 = tpu.memref_slice %arg12[%dma_wait3A_444, %dma_wait3A_445] : memref<10000x128xf32, #tpu.memory_space<vmem_shared>> -> memref<10000x128xf32, #tpu.memory_space<vmem_shared>>
      tpu.wait_indirect_dma semaphore(%arg16 : memref<!tpu.dma_semaphore, #tpu.memory_space<semaphore_mem>>) src(%arg10 : memref<80x128xf32, #tpu.memory_space<vmem>>) dst(%dma_wait3A_446 : memref<10000x128xf32, #tpu.memory_space<vmem_shared>>)
      %dma_start3A_447 = arith.constant 4 : i32
      %dma_start3A_448 = arith.constant 0 : i32
      %dma_start3A_449 = tpu.memref_slice %arg9[%dma_start3A_447, %dma_start3A_448] : memref<5x80xi32, #tpu.memory_space<vmem>> -> memref<1x80xi32, #tpu.memory_space<vmem>>
      %dma_start3A_450 = tpu.memref_squeeze %dma_start3A_449 : memref<1x80xi32, #tpu.memory_space<vmem>> -> memref<80xi32, #tpu.memory_space<vmem>>
      %dma_start3A_451 = arith.constant 0 : i32
      %dma_start3A_452 = arith.constant 0 : i32
      %dma_start3A_453 = tpu.memref_slice %arg12[%dma_start3A_451, %dma_start3A_452] : memref<10000x128xf32, #tpu.memory_space<vmem_shared>> -> memref<10000x128xf32, #tpu.memory_space<vmem_shared>>
      tpu.enqueue_indirect_dma source(%arg11 : memref<80x128xf32, #tpu.memory_space<vmem>>) target(%dma_start3A_453 : memref<10000x128xf32, #tpu.memory_space<vmem_shared>>) offsets(%dma_start3A_450 : memref<80xi32, #tpu.memory_space<vmem>>) semaphore(%arg17 : memref<!tpu.dma_semaphore, #tpu.memory_space<semaphore_mem>>) {add = true}
      %lt3A_454 = arith.constant 24 : i32
      %lt3A_455 = arith.cmpi slt, %scan3A_151, %lt3A_454 : i32
      %convert_element_type3A_456 = arith.extui %lt3A_455 : i1 to i32
      %cond3A_457 = arith.constant 0 : i32
      %cond3A_458 = arith.cmpi ne, %convert_element_type3A_456, %cond3A_457 : i32
      scf.if %cond3A_458 {
        %add3A_459 = arith.constant 1 : i32
        %add3A_460 = arith.addi %add3A_316, %add3A_459 : i32
        %dma_wait3A_461 = arith.constant 1 : i32
        %dma_wait3A_462 = arith.constant 0 : i32
        %dma_wait3A_463 = arith.constant 0 : i32
        %dma_wait3A_464 = tpu.memref_slice %arg3[%arg0, %dma_wait3A_461, %arg1, %add3A_460, %dma_wait3A_462, %dma_wait3A_463] : memref<2x2x16x50x5x80xi32, #tpu.memory_space<hbm>> -> memref<1x1x1x1x5x80xi32, #tpu.memory_space<hbm>>
        %dma_wait3A_465 = tpu.memref_squeeze %dma_wait3A_464 : memref<1x1x1x1x5x80xi32, #tpu.memory_space<hbm>> -> memref<5x80xi32, #tpu.memory_space<hbm>>
        %dma_wait3A_466 = arith.constant 0 : i32
        %dma_wait3A_467 = arith.constant 0 : i32
        %dma_wait3A_468 = tpu.memref_slice %arg3[%arg0, %dma_wait3A_461, %arg1, %add3A_460, %dma_wait3A_466, %dma_wait3A_467] : memref<2x2x16x50x5x80xi32, #tpu.memory_space<hbm>> -> memref<1x1x1x1x5x80xi32, #tpu.memory_space<hbm>>
        %dma_wait3A_469 = tpu.memref_squeeze %dma_wait3A_468 : memref<1x1x1x1x5x80xi32, #tpu.memory_space<hbm>> -> memref<5x80xi32, #tpu.memory_space<hbm>>
        tpu.wait_dma2 semaphore(%arg13 : memref<!tpu.dma_semaphore, #tpu.memory_space<semaphore_mem>>) src(%dma_wait3A_469 : memref<5x80xi32, #tpu.memory_space<hbm>>) dst(%arg6 : memref<5x80xi32, #tpu.memory_space<vmem>>)
        %dma_wait3A_470 = arith.constant 0 : i32
        %dma_wait3A_471 = arith.constant 0 : i32
        %dma_wait3A_472 = arith.constant 0 : i32
        %dma_wait3A_473 = tpu.memref_slice %arg3[%arg0, %dma_wait3A_470, %arg1, %add3A_460, %dma_wait3A_471, %dma_wait3A_472] : memref<2x2x16x50x5x80xi32, #tpu.memory_space<hbm>> -> memref<1x1x1x1x5x80xi32, #tpu.memory_space<hbm>>
        %dma_wait3A_474 = tpu.memref_squeeze %dma_wait3A_473 : memref<1x1x1x1x5x80xi32, #tpu.memory_space<hbm>> -> memref<5x80xi32, #tpu.memory_space<hbm>>
        %dma_wait3A_475 = arith.constant 0 : i32
        %dma_wait3A_476 = arith.constant 0 : i32
        %dma_wait3A_477 = tpu.memref_slice %arg3[%arg0, %dma_wait3A_470, %arg1, %add3A_460, %dma_wait3A_475, %dma_wait3A_476] : memref<2x2x16x50x5x80xi32, #tpu.memory_space<hbm>> -> memref<1x1x1x1x5x80xi32, #tpu.memory_space<hbm>>
        %dma_wait3A_478 = tpu.memref_squeeze %dma_wait3A_477 : memref<1x1x1x1x5x80xi32, #tpu.memory_space<hbm>> -> memref<5x80xi32, #tpu.memory_space<hbm>>
        tpu.wait_dma2 semaphore(%arg13 : memref<!tpu.dma_semaphore, #tpu.memory_space<semaphore_mem>>) src(%dma_wait3A_478 : memref<5x80xi32, #tpu.memory_space<hbm>>) dst(%arg8 : memref<5x80xi32, #tpu.memory_space<vmem>>)
        %dma_start3A_479 = arith.constant 0 : i32
        %dma_start3A_480 = arith.constant 0 : i32
        %dma_start3A_481 = tpu.memref_slice %arg6[%dma_start3A_479, %dma_start3A_480] : memref<5x80xi32, #tpu.memory_space<vmem>> -> memref<1x80xi32, #tpu.memory_space<vmem>>
        %dma_start3A_482 = tpu.memref_squeeze %dma_start3A_481 : memref<1x80xi32, #tpu.memory_space<vmem>> -> memref<80xi32, #tpu.memory_space<vmem>>
        %dma_start3A_483 = arith.constant 0 : i32
        %dma_start3A_484 = arith.constant 0 : i32
        %dma_start3A_485 = tpu.memref_slice %arg2[%dma_start3A_483, %dma_start3A_484] : memref<10000x128xf32, #tpu.memory_space<hbm>> -> memref<10000x128xf32, #tpu.memory_space<hbm>>
        tpu.enqueue_indirect_dma source(%dma_start3A_485 : memref<10000x128xf32, #tpu.memory_space<hbm>>) target(%arg10 : memref<80x128xf32, #tpu.memory_space<vmem>>) offsets(%dma_start3A_482 : memref<80xi32, #tpu.memory_space<vmem>>) semaphore(%arg14 : memref<!tpu.dma_semaphore, #tpu.memory_space<semaphore_mem>>)
      } else {
      }
    }
    %scan3A_135 = arith.constant 25 : i32
    %dma_wait3A_136 = arith.constant 4 : i32
    %dma_wait3A_137 = arith.constant 0 : i32
    %dma_wait3A_138 = tpu.memref_slice %arg9[%dma_wait3A_136, %dma_wait3A_137] : memref<5x80xi32, #tpu.memory_space<vmem>> -> memref<1x80xi32, #tpu.memory_space<vmem>>
    %dma_wait3A_139 = tpu.memref_squeeze %dma_wait3A_138 : memref<1x80xi32, #tpu.memory_space<vmem>> -> memref<80xi32, #tpu.memory_space<vmem>>
    %dma_wait3A_140 = arith.constant 0 : i32
    %dma_wait3A_141 = arith.constant 0 : i32
    %dma_wait3A_142 = tpu.memref_slice %arg12[%dma_wait3A_140, %dma_wait3A_141] : memref<10000x128xf32, #tpu.memory_space<vmem_shared>> -> memref<10000x128xf32, #tpu.memory_space<vmem_shared>>
    tpu.wait_indirect_dma semaphore(%arg17 : memref<!tpu.dma_semaphore, #tpu.memory_space<semaphore_mem>>) src(%arg11 : memref<80x128xf32, #tpu.memory_space<vmem>>) dst(%dma_wait3A_142 : memref<10000x128xf32, #tpu.memory_space<vmem_shared>>)
    %barrier3A_143 = arith.constant 0 : index
    tpu.barrier barrier_id(%barrier3A_143)
    %eq3A = arith.constant 0 : i32
    %eq3A_144 = arith.cmpi eq, %arg0, %eq3A : i32
    %convert_element_type3A = arith.extui %eq3A_144 : i1 to i32
    %cond3A = arith.constant 0 : i32
    %cond3A_145 = arith.cmpi ne, %convert_element_type3A, %cond3A : i32
    scf.if %cond3A_145 {
      "tpu.region"() ({
        %run_scoped3A_151 = tpu.sem_alloc : memref<!tpu.dma_semaphore, #tpu.memory_space<semaphore_mem>>
        %dma_start3A_152 = arith.constant 0 : i32
        %dma_start3A_153 = tpu.memref_slice %arg4[%multiple_of3A, %dma_start3A_152] : memref<10000x128xf32, #tpu.memory_space<hbm>> -> memref<640x128xf32, #tpu.memory_space<hbm>>
        %dma_start3A_154 = arith.constant 0 : i32
        %dma_start3A_155 = tpu.memref_slice %arg12[%multiple_of3A, %dma_start3A_154] : memref<10000x128xf32, #tpu.memory_space<vmem_shared>> -> memref<640x128xf32, #tpu.memory_space<vmem_shared>>
        tpu.enqueue_dma source(%dma_start3A_155 : memref<640x128xf32, #tpu.memory_space<vmem_shared>>) target(%dma_start3A_153 : memref<640x128xf32, #tpu.memory_space<hbm>>) target_semaphore(%run_scoped3A_151 : memref<!tpu.dma_semaphore, #tpu.memory_space<semaphore_mem>>)
        %dma_wait3A_156 = arith.constant 0 : i32
        %dma_wait3A_157 = tpu.memref_slice %arg4[%multiple_of3A, %dma_wait3A_156] : memref<10000x128xf32, #tpu.memory_space<hbm>> -> memref<640x128xf32, #tpu.memory_space<hbm>>
        %dma_wait3A_158 = arith.constant 0 : i32
        %dma_wait3A_159 = tpu.memref_slice %arg12[%multiple_of3A, %dma_wait3A_158] : memref<10000x128xf32, #tpu.memory_space<vmem_shared>> -> memref<640x128xf32, #tpu.memory_space<vmem_shared>>
        tpu.wait_dma2 semaphore(%run_scoped3A_151 : memref<!tpu.dma_semaphore, #tpu.memory_space<semaphore_mem>>) src(%dma_wait3A_159 : memref<640x128xf32, #tpu.memory_space<vmem_shared>>) dst(%dma_wait3A_157 : memref<640x128xf32, #tpu.memory_space<hbm>>)
        tpu.yield
      }) : () -> ()
    } else {
    }
    %eq3A_146 = arith.constant 1 : i32
    %eq3A_147 = arith.cmpi eq, %arg0, %eq3A_146 : i32
    %convert_element_type3A_148 = arith.extui %eq3A_147 : i1 to i32
    %cond3A_149 = arith.constant 0 : i32
    %cond3A_150 = arith.cmpi ne, %convert_element_type3A_148, %cond3A_149 : i32
    scf.if %cond3A_150 {
      "tpu.region"() ({
        %run_scoped3A_151 = tpu.sem_alloc : memref<!tpu.dma_semaphore, #tpu.memory_space<semaphore_mem>>
        %dma_start3A_152 = arith.constant 0 : i32
        %dma_start3A_153 = tpu.memref_slice %arg5[%multiple_of3A, %dma_start3A_152] : memref<10000x128xf32, #tpu.memory_space<hbm>> -> memref<640x128xf32, #tpu.memory_space<hbm>>
        %dma_start3A_154 = arith.constant 0 : i32
        %dma_start3A_155 = tpu.memref_slice %arg12[%multiple_of3A, %dma_start3A_154] : memref<10000x128xf32, #tpu.memory_space<vmem_shared>> -> memref<640x128xf32, #tpu.memory_space<vmem_shared>>
        tpu.enqueue_dma source(%dma_start3A_155 : memref<640x128xf32, #tpu.memory_space<vmem_shared>>) target(%dma_start3A_153 : memref<640x128xf32, #tpu.memory_space<hbm>>) target_semaphore(%run_scoped3A_151 : memref<!tpu.dma_semaphore, #tpu.memory_space<semaphore_mem>>)
        %dma_wait3A_156 = arith.constant 0 : i32
        %dma_wait3A_157 = tpu.memref_slice %arg5[%multiple_of3A, %dma_wait3A_156] : memref<10000x128xf32, #tpu.memory_space<hbm>> -> memref<640x128xf32, #tpu.memory_space<hbm>>
        %dma_wait3A_158 = arith.constant 0 : i32
        %dma_wait3A_159 = tpu.memref_slice %arg12[%multiple_of3A, %dma_wait3A_158] : memref<10000x128xf32, #tpu.memory_space<vmem_shared>> -> memref<640x128xf32, #tpu.memory_space<vmem_shared>>
        tpu.wait_dma2 semaphore(%run_scoped3A_151 : memref<!tpu.dma_semaphore, #tpu.memory_space<semaphore_mem>>) src(%dma_wait3A_159 : memref<640x128xf32, #tpu.memory_space<vmem_shared>>) dst(%dma_wait3A_157 : memref<640x128xf32, #tpu.memory_space<hbm>>)
        tpu.yield
      }) : () -> ()
    } else {
    }
    return
  }
}

module attributes {stable_mosaic.version = 14 : i64} {
  func.func @body(%arg0: i32, %arg1: memref<2000x128xf32, #tpu.memory_space<vmem>>, %arg2: memref<2000x128xf32, #tpu.memory_space<vmem>>, %arg3: memref<2000x128xf32, #tpu.memory_space<vmem>>, %arg4: memref<128x128xf32, #tpu.memory_space<vmem>>, %arg5: memref<128x128xf32, #tpu.memory_space<vmem>>, %arg6: memref<128xf32, #tpu.memory_space<vmem>>, %arg7: memref<128xf32, #tpu.memory_space<vmem>>, %arg8: memref<128xf32, #tpu.memory_space<vmem>>, %arg9: memref<128x384xf32, #tpu.memory_space<vmem>>, %arg10: memref<384xf32, #tpu.memory_space<vmem>>, %arg11: memref<128x384xf32, #tpu.memory_space<vmem>>, %arg12: memref<384xf32, #tpu.memory_space<vmem>>, %arg13: memref<2000x128xf32, #tpu.memory_space<vmem>>) attributes {dimension_semantics = [#tpu.dimension_semantics<arbitrary>], iteration_bounds = array<i64: 5>, scalar_prefetch = 0 : i64, scratch_operands = 0 : i64, tpu.core_type = #tpu.core_type<tc>, window_params = [{transform_indices = @transform_0, window_bounds = array<i64: 2000, 128>}, {transform_indices = @transform_1, window_bounds = array<i64: 2000, 128>}, {transform_indices = @transform_2, window_bounds = array<i64: 2000, 128>}, {pipeline_mode = #tpu.pipeline_mode<synchronous>, transform_indices = @transform_3, window_bounds = array<i64: 128, 128>}, {pipeline_mode = #tpu.pipeline_mode<synchronous>, transform_indices = @transform_4, window_bounds = array<i64: 128, 128>}, {pipeline_mode = #tpu.pipeline_mode<synchronous>, transform_indices = @transform_5, window_bounds = array<i64: 128>}, {pipeline_mode = #tpu.pipeline_mode<synchronous>, transform_indices = @transform_6, window_bounds = array<i64: 128>}, {pipeline_mode = #tpu.pipeline_mode<synchronous>, transform_indices = @transform_7, window_bounds = array<i64: 128>}, {pipeline_mode = #tpu.pipeline_mode<synchronous>, transform_indices = @transform_8, window_bounds = array<i64: 128, 384>}, {pipeline_mode = #tpu.pipeline_mode<synchronous>, transform_indices = @transform_9, window_bounds = array<i64: 384>}, {pipeline_mode = #tpu.pipeline_mode<synchronous>, transform_indices = @transform_10, window_bounds = array<i64: 128, 384>}, {pipeline_mode = #tpu.pipeline_mode<synchronous>, transform_indices = @transform_11, window_bounds = array<i64: 384>}, {transform_indices = @transform_12, window_bounds = array<i64: 2000, 128>}]} {
    %get3A = arith.constant 0 : index
    %get3A_0 = arith.constant 0 : index
    %get3A_1 = vector.load %arg1[%get3A, %get3A_0] : memref<2000x128xf32, #tpu.memory_space<vmem>>, vector<2000x128xf32>
    %get3A_2 = arith.constant 0 : index
    %get3A_3 = arith.constant 0 : index
    %get3A_4 = vector.load %arg3[%get3A_2, %get3A_3] : memref<2000x128xf32, #tpu.memory_space<vmem>>, vector<2000x128xf32>
    %get3A_5 = arith.constant 0 : index
    %get3A_6 = arith.constant 0 : index
    %get3A_7 = vector.load %arg4[%get3A_5, %get3A_6] : memref<128x128xf32, #tpu.memory_space<vmem>>, vector<128x128xf32>
    %dot_general3A = arith.constant dense<0.000000e+00> : vector<2000x128xf32>
    %dot_general3A_8 = tpu.matmul %get3A_4, %get3A_7, %dot_general3A {dimension_numbers = #tpu.dot_dimension_numbers<[1], [0], [0], [1], [0, 0, 1, 1], [], []>, transpose_lhs_hint = false} : vector<2000x128xf32>, vector<128x128xf32>, vector<2000x128xf32> -> vector<2000x128xf32>
    %get3A_9 = arith.constant 0 : index
    %get3A_10 = arith.constant 0 : index
    %get3A_11 = vector.load %arg2[%get3A_9, %get3A_10] : memref<2000x128xf32, #tpu.memory_space<vmem>>, vector<2000x128xf32>
    %get3A_12 = arith.constant 0 : index
    %get3A_13 = arith.constant 0 : index
    %get3A_14 = vector.load %arg5[%get3A_12, %get3A_13] : memref<128x128xf32, #tpu.memory_space<vmem>>, vector<128x128xf32>
    %dot_general3A_15 = arith.constant dense<0.000000e+00> : vector<2000x128xf32>
    %dot_general3A_16 = tpu.matmul %get3A_11, %get3A_14, %dot_general3A_15 {dimension_numbers = #tpu.dot_dimension_numbers<[1], [0], [0], [1], [0, 0, 1, 1], [], []>, transpose_lhs_hint = false} : vector<2000x128xf32>, vector<128x128xf32>, vector<2000x128xf32> -> vector<2000x128xf32>
    %add3A = arith.addf %dot_general3A_8, %dot_general3A_16 : vector<2000x128xf32>
    %get3A_17 = arith.constant 0 : index
    %get3A_18 = vector.load %arg6[%get3A_17] : memref<128xf32, #tpu.memory_space<vmem>>, vector<128xf32>
    %broadcast_in_dim3A = vector.shape_cast %get3A_18 : vector<128xf32> to vector<1x128xf32>
    %add3A_19 = vector.broadcast %broadcast_in_dim3A : vector<1x128xf32> to vector<2000x128xf32>
    %add3A_20 = arith.addf %add3A, %add3A_19 : vector<2000x128xf32>
    %add3A_21 = arith.addf %add3A_20, %get3A_1 : vector<2000x128xf32>
    %max3A = arith.constant 0.000000e+00 : f32
    %max3A_22 = vector.broadcast %max3A : f32 to vector<2000x128xf32>
    %max3A_23 = arith.maximumf %add3A_21, %max3A_22 : vector<2000x128xf32>
    %get3A_24 = arith.constant 0 : index
    %get3A_25 = vector.load %arg7[%get3A_24] : memref<128xf32, #tpu.memory_space<vmem>>, vector<128xf32>
    %mul3A = arith.constant 0.999500393 : f32
    %mul3A_26 = vector.broadcast %mul3A : f32 to vector<128xf32>
    %mul3A_27 = arith.mulf %get3A_25, %mul3A_26 : vector<128xf32>
    %broadcast_in_dim3A_28 = vector.shape_cast %mul3A_27 : vector<128xf32> to vector<1x128xf32>
    %mul3A_29 = vector.broadcast %broadcast_in_dim3A_28 : vector<1x128xf32> to vector<2000x128xf32>
    %mul3A_30 = arith.mulf %max3A_23, %mul3A_29 : vector<2000x128xf32>
    %get3A_31 = arith.constant 0 : index
    %get3A_32 = vector.load %arg8[%get3A_31] : memref<128xf32, #tpu.memory_space<vmem>>, vector<128xf32>
    %broadcast_in_dim3A_33 = vector.shape_cast %get3A_32 : vector<128xf32> to vector<1x128xf32>
    %add3A_34 = vector.broadcast %broadcast_in_dim3A_33 : vector<1x128xf32> to vector<2000x128xf32>
    %add3A_35 = arith.addf %mul3A_30, %add3A_34 : vector<2000x128xf32>
    %get3A_36 = arith.constant 0 : index
    %get3A_37 = arith.constant 0 : index
    %get3A_38 = vector.load %arg9[%get3A_36, %get3A_37] : memref<128x384xf32, #tpu.memory_space<vmem>>, vector<128x384xf32>
    %dot_general3A_39 = arith.constant dense<0.000000e+00> : vector<2000x384xf32>
    %dot_general3A_40 = tpu.matmul %add3A_35, %get3A_38, %dot_general3A_39 {dimension_numbers = #tpu.dot_dimension_numbers<[1], [0], [0], [1], [0, 0, 1, 1], [], []>, transpose_lhs_hint = false} : vector<2000x128xf32>, vector<128x384xf32>, vector<2000x384xf32> -> vector<2000x384xf32>
    %get3A_41 = arith.constant 0 : index
    %get3A_42 = vector.load %arg10[%get3A_41] : memref<384xf32, #tpu.memory_space<vmem>>, vector<384xf32>
    %broadcast_in_dim3A_43 = vector.shape_cast %get3A_42 : vector<384xf32> to vector<1x384xf32>
    %add3A_44 = vector.broadcast %broadcast_in_dim3A_43 : vector<1x384xf32> to vector<2000x384xf32>
    %add3A_45 = arith.addf %dot_general3A_40, %add3A_44 : vector<2000x384xf32>
    %get3A_46 = arith.constant 0 : index
    %get3A_47 = arith.constant 0 : index
    %get3A_48 = vector.load %arg11[%get3A_46, %get3A_47] : memref<128x384xf32, #tpu.memory_space<vmem>>, vector<128x384xf32>
    %dot_general3A_49 = arith.constant dense<0.000000e+00> : vector<2000x384xf32>
    %dot_general3A_50 = tpu.matmul %get3A_1, %get3A_48, %dot_general3A_49 {dimension_numbers = #tpu.dot_dimension_numbers<[1], [0], [0], [1], [0, 0, 1, 1], [], []>, transpose_lhs_hint = false} : vector<2000x128xf32>, vector<128x384xf32>, vector<2000x384xf32> -> vector<2000x384xf32>
    %get3A_51 = arith.constant 0 : index
    %get3A_52 = vector.load %arg12[%get3A_51] : memref<384xf32, #tpu.memory_space<vmem>>, vector<384xf32>
    %broadcast_in_dim3A_53 = vector.shape_cast %get3A_52 : vector<384xf32> to vector<1x384xf32>
    %add3A_54 = vector.broadcast %broadcast_in_dim3A_53 : vector<1x384xf32> to vector<2000x384xf32>
    %add3A_55 = arith.addf %dot_general3A_50, %add3A_54 : vector<2000x384xf32>
    %slice3A = vector.extract_strided_slice %add3A_45 {offsets = [0, 0], sizes = [2000, 128], strides = [1, 1]} : vector<2000x384xf32> to vector<2000x128xf32>
    %slice3A_56 = vector.extract_strided_slice %add3A_55 {offsets = [0, 0], sizes = [2000, 128], strides = [1, 1]} : vector<2000x384xf32> to vector<2000x128xf32>
    %add3A_57 = arith.addf %slice3A, %slice3A_56 : vector<2000x128xf32>
    %logistic3A = arith.negf %add3A_57 : vector<2000x128xf32>
    %logistic3A_58 = math.exp %logistic3A : vector<2000x128xf32>
    %logistic3A_59 = arith.constant 1.000000e+00 : f32
    %logistic3A_60 = vector.broadcast %logistic3A_59 : f32 to vector<2000x128xf32>
    %logistic3A_61 = arith.addf %logistic3A_60, %logistic3A_58 : vector<2000x128xf32>
    %logistic3A_62 = arith.divf %logistic3A_60, %logistic3A_61 : vector<2000x128xf32>
    %slice3A_63 = vector.extract_strided_slice %add3A_45 {offsets = [0, 128], sizes = [2000, 128], strides = [1, 1]} : vector<2000x384xf32> to vector<2000x128xf32>
    %slice3A_64 = vector.extract_strided_slice %add3A_55 {offsets = [0, 128], sizes = [2000, 128], strides = [1, 1]} : vector<2000x384xf32> to vector<2000x128xf32>
    %add3A_65 = arith.addf %slice3A_63, %slice3A_64 : vector<2000x128xf32>
    %logistic3A_66 = arith.negf %add3A_65 : vector<2000x128xf32>
    %logistic3A_67 = math.exp %logistic3A_66 : vector<2000x128xf32>
    %logistic3A_68 = arith.constant 1.000000e+00 : f32
    %logistic3A_69 = vector.broadcast %logistic3A_68 : f32 to vector<2000x128xf32>
    %logistic3A_70 = arith.addf %logistic3A_69, %logistic3A_67 : vector<2000x128xf32>
    %logistic3A_71 = arith.divf %logistic3A_69, %logistic3A_70 : vector<2000x128xf32>
    %slice3A_72 = vector.extract_strided_slice %add3A_45 {offsets = [0, 256], sizes = [2000, 128], strides = [1, 1]} : vector<2000x384xf32> to vector<2000x128xf32>
    %slice3A_73 = vector.extract_strided_slice %add3A_55 {offsets = [0, 256], sizes = [2000, 128], strides = [1, 1]} : vector<2000x384xf32> to vector<2000x128xf32>
    %mul3A_74 = arith.mulf %logistic3A_71, %slice3A_73 : vector<2000x128xf32>
    %add3A_75 = arith.addf %slice3A_72, %mul3A_74 : vector<2000x128xf32>
    %tanh3A = math.tanh %add3A_75 : vector<2000x128xf32>
    %mul3A_76 = arith.mulf %logistic3A_62, %get3A_1 : vector<2000x128xf32>
    %sub3A = arith.constant 1.000000e+00 : f32
    %sub3A_77 = vector.broadcast %sub3A : f32 to vector<2000x128xf32>
    %sub3A_78 = arith.subf %sub3A_77, %logistic3A_62 : vector<2000x128xf32>
    %mul3A_79 = arith.mulf %sub3A_78, %tanh3A : vector<2000x128xf32>
    %add3A_80 = arith.addf %mul3A_76, %mul3A_79 : vector<2000x128xf32>
    %swap3A = arith.constant 0 : index
    %swap3A_81 = arith.constant 0 : index
    %swap3A_82 = vector.load %arg13[%swap3A, %swap3A_81] : memref<2000x128xf32, #tpu.memory_space<vmem>>, vector<2000x128xf32>
    tpu.vector_store %arg13[%swap3A, %swap3A_81], %add3A_80 {strides = array<i32>} : memref<2000x128xf32, #tpu.memory_space<vmem>>, vector<2000x128xf32>,
    return
  }
  func.func @transform_0(%arg0: i32) -> (i32, i32) {
    %c0_i32 = arith.constant 0 : i32
    %c0_i32_0 = arith.constant 0 : i32
    return %arg0, %c0_i32 : i32, i32
  }
  func.func @transform_1(%arg0: i32) -> (i32, i32) {
    %c0_i32 = arith.constant 0 : i32
    %c0_i32_0 = arith.constant 0 : i32
    return %arg0, %c0_i32 : i32, i32
  }
  func.func @transform_2(%arg0: i32) -> (i32, i32) {
    %c0_i32 = arith.constant 0 : i32
    %c0_i32_0 = arith.constant 0 : i32
    return %arg0, %c0_i32 : i32, i32
  }
  func.func @transform_3(%arg0: i32) -> (i32, i32) {
    %c0_i32 = arith.constant 0 : i32
    %c0_i32_0 = arith.constant 0 : i32
    %c0_i32_1 = arith.constant 0 : i32
    return %c0_i32, %c0_i32_0 : i32, i32
  }
  func.func @transform_4(%arg0: i32) -> (i32, i32) {
    %c0_i32 = arith.constant 0 : i32
    %c0_i32_0 = arith.constant 0 : i32
    %c0_i32_1 = arith.constant 0 : i32
    return %c0_i32, %c0_i32_0 : i32, i32
  }
  func.func @transform_5(%arg0: i32) -> i32 {
    %c0_i32 = arith.constant 0 : i32
    %c0_i32_0 = arith.constant 0 : i32
    return %c0_i32 : i32
  }
  func.func @transform_6(%arg0: i32) -> i32 {
    %c0_i32 = arith.constant 0 : i32
    %c0_i32_0 = arith.constant 0 : i32
    return %c0_i32 : i32
  }
  func.func @transform_7(%arg0: i32) -> i32 {
    %c0_i32 = arith.constant 0 : i32
    %c0_i32_0 = arith.constant 0 : i32
    return %c0_i32 : i32
  }
  func.func @transform_8(%arg0: i32) -> (i32, i32) {
    %c0_i32 = arith.constant 0 : i32
    %c0_i32_0 = arith.constant 0 : i32
    %c0_i32_1 = arith.constant 0 : i32
    return %c0_i32, %c0_i32_0 : i32, i32
  }
  func.func @transform_9(%arg0: i32) -> i32 {
    %c0_i32 = arith.constant 0 : i32
    %c0_i32_0 = arith.constant 0 : i32
    return %c0_i32 : i32
  }
  func.func @transform_10(%arg0: i32) -> (i32, i32) {
    %c0_i32 = arith.constant 0 : i32
    %c0_i32_0 = arith.constant 0 : i32
    %c0_i32_1 = arith.constant 0 : i32
    return %c0_i32, %c0_i32_0 : i32, i32
  }
  func.func @transform_11(%arg0: i32) -> i32 {
    %c0_i32 = arith.constant 0 : i32
    %c0_i32_0 = arith.constant 0 : i32
    return %c0_i32 : i32
  }
  func.func @transform_12(%arg0: i32) -> (i32, i32) {
    %c0_i32 = arith.constant 0 : i32
    %c0_i32_0 = arith.constant 0 : i32
    return %arg0, %c0_i32 : i32, i32
  }
}

</mosaic_0001>

<sc_bundles>
// kernel: kernel.4.cloned.1.call-start
scs
__scs_entry_jumppad:
0x0: {  	(pc) =	sbr.rel $0x88, $3  }
0x1: {  	(tag) =	ssettag $0x0;
	lr =	simm.s32 $0x1  }
0x2: {  	[smem:$0x3F96] =	sst lr;
	_ =	strace $0xD0000000  }
0x3: {  	_ = 	snop  }
0x4: {  	_ = 	snop  }
0x5: {  	_ = 	snop  }
0x6: {  	_ = 	snop  }
0x7: {  	_ = 	snop  }
__scs_overlays_trampoline_lowered:
0x8: {  	[smem:$0x3FA5] =	sst s0  }
0x9: {  	[smem:$0x3FA6] =	sst s1  }
0xa: {  	[smem:$0x3FA7] =	sst s2  }
0xb: {  	[smem:$0x3FA8] =	sst s3  }
0xc: {  	[smem:$0x3FA9] =	sst s4  }
0xd: {  	[smem:$0x3FAA] =	sst s5  }
0xe: {  	[smem:$0x3FAB] =	sst s6  }
0xf: {  	[smem:$0x3FAC] =	sst s7  }
0x10: {  	[smem:$0x3FAD] =	sst s8  }
0x11: {  	[smem:$0x3FAE] =	sst s9;
	s0 =	simm.s32 @!p0 $0x0  }
0x12: {  	s1 =	sld [smem:$0x3F94];
	s0 =	simm.s32 @p0 $0x1  }
0x13: {  	[smem:$0x3FAF] =	sst s0;
	s0 =	simm.s32 @!p1 $0x0  }
0x14: {  	s2 =	sld [smem:$0x3F93];
	s0 =	simm.s32 @p1 $0x1  }
0x15: {  	[smem:$0x3FB0] =	sst s0;
	s0 =	simm.s32 @!p2 $0x0  }
0x16: {  	s3 =	sld [smem:$0x3FDB];
	s0 =	simm.s32 @p2 $0x1  }
0x17: {  	s4 =	simm.s32 $0x1BF5;
	[smem:$0x3FB2] =	sst s0  }
0x18: {  	s0 =	sld [smem:$0x3F95];
	_ =	swait.ge [sflag:s4], $0x0  }
0x19: {  	s7 =	sld [smem:$0x3F96]  }
0x1a: {  	s8 =	sadd.s32 $0xFFFFE003, lr  }
0x1b: {  	s9 =	sadd.s32 $0xFFFFFEF7, lr;
	s5 =	simm.s32 $0xFFFFFFFF;
	p2 =	slt.u32 s8, $0xFFFFF086  }
0x1c: {  	p1 =	slt.u32 s9, $0xF7A;
	s5 =	simm.s32 @!p2 $0x0  }
0x1d: {  	s5 =	simm.s32 @p1 $0x1;
	p0 =	seq.s32 s7, s2  }
0x1e: {  	s7 =	smul.u32 @!p0 $0xF7A, s2;
	p2 =	seq.s32 @!p0 s5, $0x0  }
0x1f: {  	s9 =	smul.u32 $0xF7A, s1;
	s8 =	simm.s32 @!p0 $0x1BF5;
	p2 =	por !p2, p0  }
0x20: {  	[sflag:s8] =	ssyncset.s32 @!p0 $0xFFFFF086;
	s6 =	sadd.s32 @!p0 s3, s7;
	s7 =	simm.s32 @!p0 $0x108  }
0x21: {  	s3 =	sadd.s32 s3, s9;
	s6 =	sadd.s32 @!p0 $0x88, s6;
	s7 =	simm.s32 @p2 $0x1082  }
0x22: {  	[simem:s7], [sflag:s8] =	dma.local @!p0 [hbm:s6], $0xF7A  }
0x23: {  	s9 =	sor.u32 $0xD0000000, s2;
	s6 =	simm.s32 $0x108;
	_ =	swait.ge @!p0 [sflag:s8], $0x0  }
0x24: {  	s3 =	sadd.s32 $0x88, s3;
	s6 =	simm.s32 @!p1 $0x1082;
	[sflag:s4] =	ssyncset.s32 $0xFFFFF086  }
0x25: {  	[simem:s6], [sflag:s4] =	dma.local [hbm:s3], $0xF7A  }
0x26: {  	[smem:$0x3F96] =	sst s1;
	(tag) =	ssettag s2;
	_ =	strace s9  }
0x27: {  	s1 =	sld [smem:$0x3FA6]  }
0x28: {  	s2 =	sld [smem:$0x3FA7]  }
0x29: {  	s4 =	sld [smem:$0x3FA9]  }
0x2a: {  	p0 =	seq.s32 s5, $0x0;
	s5 =	sld [smem:$0x3FAA]  }
0x2b: {  	s6 =	sld [smem:$0x3FAB]  }
0x2c: {  	s7 =	sld [smem:$0x3FAC]  }
0x2d: {  	s3 =	simm.s32 $0x108;
	s8 =	sld [smem:$0x3FAD]  }
0x2e: {  	s3 =	simm.s32 @!p0 $0x1082;
	s9 =	sld [smem:$0x3FAE]  }
0x2f: {  	lr =	sadd.s32 s0, s3;
	s0 =	sld [smem:$0x3FA5]  }
0x30: {  	s3 =	sld [smem:$0x3FA8]  }
0x31: {  	[smem:$0x3FB1] =	sst s10  }
0x32: {  	s10 =	sld [smem:$0x3FAF];
	_ =	sdelay $0x3  }
0x33: {  	p0 =	seq.s32 s10, $0x1;
	s10 =	sld [smem:$0x3FB1];
	_ =	sdelay $0x3  }
0x34: {  	[smem:$0x3FB1] =	sst s10  }
0x35: {  	s10 =	sld [smem:$0x3FB0];
	_ =	sdelay $0x3  }
0x36: {  	p1 =	seq.s32 s10, $0x1;
	s10 =	sld [smem:$0x3FB1];
	_ =	sdelay $0x3  }
0x37: {  	[smem:$0x3FB1] =	sst s10  }
0x38: {  	s10 =	sld [smem:$0x3FB2]  }
0x39: {  	_ = 	snop;
	(pc) =	sbr.ind lr, $3  }
0x3a: {  	_ = 	snop  }
0x3b: {  	_ = 	snop  }
0x3c: {  	p2 =	seq.s32 s10, $0x1;
	s10 =	sld [smem:$0x3FB1]  }
0x3d: {  	_ =	shalt  }
0x3e: {  	_ =	shalt  }
0x3f: {  	_ =	shalt  }
0x40: {  	_ =	shalt  }
0x41: {  	_ =	shalt  }
0x42: {  	_ =	shalt  }
0x43: {  	_ =	shalt  }
0x44: {  	_ =	shalt  }
0x45: {  	_ =	shalt  }
0x46: {  	_ =	shalt  }
0x47: {  	_ =	shalt  }
0x48: {  	_ =	shalt  }
0x49: {  	_ =	shalt  }
0x4a: {  	_ =	shalt  }
0x4b: {  	_ =	shalt  }
0x4c: {  	_ =	shalt  }
0x4d: {  	_ =	shalt  }
0x4e: {  	_ =	shalt  }
0x4f: {  	_ =	shalt  }
0x50: {  	_ =	shalt  }
0x51: {  	_ =	shalt  }
0x52: {  	_ =	shalt  }
0x53: {  	_ =	shalt  }
0x54: {  	_ =	shalt  }
0x55: {  	_ =	shalt  }
0x56: {  	_ =	shalt  }
0x57: {  	_ =	shalt  }
0x58: {  	_ =	shalt  }
0x59: {  	_ =	shalt  }
0x5a: {  	_ =	shalt  }
0x5b: {  	_ =	shalt  }
0x5c: {  	_ =	shalt  }
0x5d: {  	_ =	shalt  }
0x5e: {  	_ =	shalt  }
0x5f: {  	_ =	shalt  }
0x60: {  	_ =	shalt  }
0x61: {  	_ =	shalt  }
0x62: {  	_ =	shalt  }
0x63: {  	_ =	shalt  }
0x64: {  	_ =	shalt  }
0x65: {  	_ =	shalt  }
0x66: {  	_ =	shalt  }
0x67: {  	_ =	shalt  }
0x68: {  	_ =	shalt  }
0x69: {  	_ =	shalt  }
0x6a: {  	_ =	shalt  }
0x6b: {  	_ =	shalt  }
0x6c: {  	_ =	shalt  }
0x6d: {  	_ =	shalt  }
0x6e: {  	_ =	shalt  }
0x6f: {  	_ =	shalt  }
0x70: {  	_ =	shalt  }
0x71: {  	_ =	shalt  }
0x72: {  	_ =	shalt  }
0x73: {  	_ =	shalt  }
0x74: {  	_ =	shalt  }
0x75: {  	_ =	shalt  }
0x76: {  	_ =	shalt  }
0x77: {  	_ =	shalt  }
0x78: {  	_ =	shalt  }
0x79: {  	_ =	shalt  }
0x7a: {  	_ =	shalt  }
0x7b: {  	_ =	shalt  }
0x7c: {  	_ =	shalt  }
0x7d: {  	_ =	shalt  }
0x7e: {  	_ =	shalt  }
0x7f: {  	_ =	shalt  }
0x80: {  	_ =	shalt  }
0x81: {  	_ =	shalt  }
0x82: {  	_ =	shalt  }
0x83: {  	_ =	shalt  }
0x84: {  	_ =	shalt  }
0x85: {  	_ =	shalt  }
0x86: {  	_ =	shalt  }
0x87: {  	_ =	shalt  }
.Lfunc_end0:
.L_simem_size_0:
called_computation_lowered:
.L_overlay_start_0:
0x88: {  	s2 =	sld [smem:$0x3FD9]  }
0x89: {  	s3 =	sld [smem:$0x3FFE];
	_ =	sdelay $0x1  }
0x8a: {  	s1 =	srdreg.scid  }
0x8b: {  	s0 =	sand.u32 $0x1, s1  }
0x8c: {  	s17 =	sshll.u32 s0, $0xA;
	s2 =	sadd.s32 s3, s2  }
0x8d: {  	s2 =	sadd.s32 s2, s17  }
0x8e: {  	[smem:$0x3FBD] =	sst s2  }
0x8f: {  	_ = 	snop  }
0x90: {  	s2 =	sld [smem:$0x3FC9]  }
0x91: {  	s18 =	sld [smem:$0x3FD0];
	(tm) =	ssettm $0x1  }
0x92: {  	s4 =	sld [smem:$0x3FFB];
	_ =	sdelay $0x3  }
0x93: {  	_ =	strace s4  }
0x94: {  	s4 =	sld [smem:$0x3FFC];
	_ =	sdelay $0x3  }
0x95: {  	_ =	strace s4  }
0x96: {  	s4 =	sld [smem:$0x3FFD];
	_ =	sdelay $0x3  }
0x97: {  	_ =	strace s4  }
0x98: {  	_ =	strace $0x8FFFFFFF  }
0x99: {  	s19 =	sld [smem:$0x3FDB];
	_ =	sdelay $0x1  }
0x9a: {  	s5 =	simm.s32 $_scs_section_size  }
0x9b: {  	s6 =	simm.s32 $_size__tile_overlayer_lowered;
	s7 =	simm.s32 $_tile_overlayer_lowered  }
0x9c: {  	s22 =	simm.s32 $0x1BFF;
	s21 =	sshll.u32 s7, $0x1;
	s4 =	sadd.s32 s5, s19  }
0x9d: {  	s8 =	simm.s32 $0x0;
	s20 =	sshll.u32 s6, $0x1;
	s6 =	sadd.s32 s21, s4  }
0x9e: {  	[timem:s8], [sflag:s22] =	dma.local [hbm:s6], s20  }
0x9f: {  	_ =	swait.ge [sflag:s22], s20  }
0xa0: {  	s5 =	ssub.s32 $0x0, s20;
	[sflag:s22] =	ssyncset.done $0x0  }
0xa1: {  	[sflag:s22] =	ssyncadd.s32 s5;
	_ =	sdelay $0x1  }
0xa2: {  	s23 =	simm.s32 $0x1B8B  }
0xa3: {  	_ =	swait.ge [sflag:s23], $0x1  }
0xa4: {  	[sflag:s23] =	ssyncset.done $0x0  }
0xa5: {  	s25 =	simm.s32 $0x1B8E;
	s24 =	sld [smem:$0x3FFE];
	[sflag:s23] =	ssyncadd.s32 $0xFFFFFFFF  }
0xa6: {  	s26 =	simm.s32 $execute0_lowered;
	[smem:$0x3FD2] =	sst s25  }
0xa7: {  	s6 =	sshll.u32 s26, $0x1;
	_ =	strace $0x80000046;
	[dreg:$0x1] =	wrdreg $0xFFFFFFFF  }
0xa8: {  	s28 =	simm.s32 $_size_execute0_lowered;
	s4 =	sadd.s32 s4, s6;
	[dreg:$0x0] =	wrdreg $0x0  }
0xa9: {  	s6 =	sshll.u32 s28, $0x1;
	[dreg:$0x2] =	wrdreg s4  }
0xaa: {  	[dreg:$0x3] =	wrdreg s6  }
0xab: {  	[dreg:$0x4] =	wrdreg $0xC0  }
0xac: {  	_ =	task [dreg:s8], $0x5FFFF  }
0xad: {  	[dreg:$0x1] =	wrdreg $0xFFFFFFFF  }
0xae: {  	[dreg:$0x0] =	wrdreg $0x60  }
0xaf: {  	[dreg:$0x2] =	wrdreg s2  }
0xb0: {  	[dreg:$0x3] =	wrdreg s24  }
0xb1: {  	[dreg:$0x4] =	wrdreg s18  }
0xb2: {  	[dreg:$0x5] =	wrdreg $0x60000  }
0xb3: {  	[dreg:$0x6] =	wrdreg $0x9  }
0xb4: {  	_ =	task.clear_ibuf [dreg:s8], $0x7FFFF;
	_ =	strace $0x90000046  }
0xb5: {  	s29 =	simm.s32 $0x9;
	_ =	strace $0x80000048  }
0xb6: {  	_ =	swait.ge [sflag:s29], $0x1  }
0xb7: {  	[sflag:s29] =	ssyncadd.s32 $0xFFFFFFFF  }
0xb8: {  	_ =	strace $0x90000048  }
0xb9: {  	_ =	sfence  }
0xba: {  	s30 =	sld [smem:$0x0];
	_ =	sdelay $0x2  }
0xbb: {  	s31 =	sshll.u32 s1, $0xD;
	s1 =	sshrl.u32 s1, $0x2  }
0xbc: {  	s3 =	sand.u32 $0x4000, s31;
	s1 =	sadd.s32 s1, s30  }
0xbd: {  	s0 =	sor.u32 s3, s0;
	s1 =	sshll.u32 s1, $0x11  }
0xbe: {  	s0 =	sor.u32 s1, s0  }
0xbf: {  	s0 =	sadd.s32 $0x8F2B, s0  }
0xc0: {  	[sflag:s0] =	ssyncadd.remote.s32 $0x1  }
0xc1: {  	_ =	sfence.sel $0xFFFF  }
0xc2: {  	[dreg:$0x0] =	wrdreg $0xFFFFFFFF;
	(pc) =	sbr.abs _section_cstart, $3  }
0xc3: {  	[dreg:$0x1] =	wrdreg $0xFFFFFFFF  }
0xc4: {  	_ =	task.clear_ibuf [dreg:s8], $0x2FFFF;
	_ =	strace $0x9FFFFFFF  }
0xc5: {  	(tm) =	ssettm $0x7FFFFFFF  }
tec
execute0_lowered:
.L_overlay_start_1:
0x0: {  	(tag) =	ssettag $0x1  }
0x1: {  	s1 =	rddreg [dreg:$0x0]  }
0x2: {  	s0 =	rddreg [dreg:$0x1]  }
0x3: {  	s3 =	rddreg [dreg:$0x2]  }
0x4: {  	s2 =	rddreg [dreg:$0x3];
	s4 =	srdreg.scid  }
0x5: {  	s5 =	simm.s32 $0x0;
	s11 =	stileid.u32;
	s28 =	simm.s32 $0x50  }
0x6: {  	s29 =	simm.s32 $0x1000;
	s30 =	simm.s32 $0x3800;
	s7 =	smul.u32 $0xC800, s11  }
0x7: {  	s31 =	simm.s32 $0x4;
	s4 =	sand.u32 $0x1, s4;
	s10 =	smul.u32 $0x4E000, s11  }
0x8: {  	[smem:$0x7FF] =	sst s5;
	s5 =	sadd.s32 $0x1C00, s0;
	s22 =	smul.u32 $0x2700, s11  }
0x9: {  	s0 =	sadd.s32 $0x65C00, s0;
	s11 =	simm.s32 $0x0;
	s6 =	smul.u32 $0x190000, s4  }
0xa: {  	_ =	strace $0x80000047;
	s8 =	ssub.s32 $0x2, s4;
	p0 =	seq.s32 s4, $0x1  }
0xb: {  	s4 =	simm.s32 $0xD80;
	s12 =	sshrl.u32 s8, $0x1;
	s14 =	sshrl.u32 s10, $0x2  }
0xc: {  	s3 =	smov.u32 @p0 s0;
	s10 =	simm.s32 $0xD00;
	s6 =	sadd.s32 s7, s6  }
0xd: {  	s7 =	ssub.s32 s8, s12;
	s3 =	sadd.s32 s3, s22;
	s9 =	sshrl.u32 s6, $0x3  }
0xe: {  	s13 =	sadd.s32 $0xC8400, s6;
	s7 =	smax.u32 s7, $0x1;
	s23 =	sadd.s32 $0xC8800, s6  }
0xf: {  	[dreg:$0x11] =	wrdreg s3;
	s24 =	sor.u32 $0x400, s6;
	s25 =	sadd.s32 $0x800, s6  }
0x10: {  	s6 =	simm.s32 $0x1;
	s3 =	simm.s32 $0x600;
	[dreg:$0x10] =	wrdreg s7  }
0x11: {  	s12 =	sadd.s32 s5, s9;
	s8 =	sshrl.u32 s13, $0x3;
	[dreg:$0x12] =	wrdreg s25  }
0x12: {  	s13 =	sadd.s32 s14, s2;
	s0 =	sshrl.u32 s23, $0x3;
	[dreg:$0x5] =	wrdreg s12  }
0x13: {  	s26 =	sshrl.u32 s24, $0x3;
	s9 =	sadd.s32 $0x19000, s12;
	[dreg:$0x8] =	wrdreg s13  }
0x14: {  	s14 =	simm.s32 $0x6;
	s15 =	sadd.s32 $0x80, s12;
	[dreg:$0x6] =	wrdreg s9  }
0x15: {  	s7 =	simm.s32 $0x3;
	s16 =	sadd.s32 $0x5000, s13;
	[dreg:$0x7] =	wrdreg s15  }
0x16: {  	s23 =	simm.s32 $0x580;
	s17 =	sadd.s32 $0x7800, s13;
	[dreg:$0xa] =	wrdreg s16  }
0x17: {  	s24 =	simm.s32 $0xE00;
	s18 =	sadd.s32 $0xA000, s13;
	[dreg:$0xb] =	wrdreg s17  }
0x18: {  	s8 =	sadd.s32 s5, s8;
	s19 =	sadd.s32 $0xC800, s13;
	[dreg:$0xc] =	wrdreg s18  }
0x19: {  	s20 =	sadd.s32 $0xF000, s13;
	s21 =	sadd.s32 $0x11800, s13;
	[dreg:$0xd] =	wrdreg s19  }
.Ltmp0:
0x1a: {  	s22 =	sadd.s32 s26, s5;
	[dreg:$0xe] =	wrdreg s20;
	(pc) =	sbr.rel .LBB2_1-.Ltmp0, $4  }
0x1b: {  	s12 =	simm.s32 $0x5;
	s9 =	sadd.s32 $0x2800, s13;
	[dreg:$0xf] =	wrdreg s21  }
0x1c: {  	s21 =	sadd.s32 s0, s5;
	s0 =	simm.s32 $0x2;
	s15 =	simm.s32 $0x980  }
0x1d: {  	s16 =	simm.s32 $0x200;
	s17 =	simm.s32 $0xA00;
	s18 =	simm.s32 $0x480  }
0x1e: {  	v0 =	vimm.f32 $0.0e+00;
	s19 =	simm.s32 $0xC80;
	s20 =	simm.s32 $0x500;
	[dreg:$0x9] =	wrdreg s9  }
.LBB2_6:
0x1f: {  	_ =	swait.ge [sflag:s12], $0x2800  }
0x20: {  	[sflag:s12] =	ssyncset.done $0x0  }
0x21: {  	[sflag:s12] =	ssyncadd.s32 $0xFFFFD800  }
0x22: {  	s9 =	stileid.u32;
	[bflag:$0x0] =	sbarrier.arrive $0xFFFF  }
0x23: {  	s9 =	sshll.u32 s9, $0x6;
	s13 =	rddreg [dreg:$0x8]  }
0x24: {  	s9 =	sor.u32 $0x1C06, s9;
	s14 =	rddreg [dreg:$0x11];
	s11 =	sshrl.u32 s13, $0x3  }
0x25: {  	[hbm:s14], [sflag:s9] =	dma.local [spmem:s11], $0x2800  }
0x26: {  	s14 =	simm.s32 $0x6  }
0x27: {  	_ =	swait.ge [sflag:s14], $0x2800  }
0x28: {  	s25 =	rddreg [dreg:$0x13]  }
0x29: {  	s26 =	rddreg [dreg:$0x10];
	s11 =	sadd.s32 $0x1, s25  }
0x2a: {  	p0 =	sne.s32 s11, s26  }
.Ltmp1:
0x2b: {  	_ = 	snop;
	(pc) =	sbr.rel @!p0 .LBB2_7-.Ltmp1, $3  }
0x2c: {  	_ =	sdelay $0x1  }
0x2d: {  	[sflag:s14] =	ssyncset.done $0x0  }
0x2e: {  	[sflag:s14] =	ssyncadd.s32 $0xFFFFD800  }
.LBB2_1:
0x2f: {  	[dreg:$0x13] =	wrdreg s11  }
0x30: {  	s9 =	simm.s32 $0x0;
	s25 =	rddreg [dreg:$0x6]  }
0x31: {  	[tilespmem:s9], [sflag:$0x6] =	stream.linear.gather [hbm4b:s25+s9], $0x280, $0x38;
	[tilespmem:$0x19880] =	vst v63  }
0x32: {  	_ =	swait.ge [sflag:s14], $0x280  }
0x33: {  	[sflag:s14] =	ssyncset.done $0x0  }
0x34: {  	s25 =	simm.s32 $0x800;
	s26 =	rddreg [dreg:$0x5];
	[sflag:s14] =	ssyncadd.s32 $0xFFFFFD80  }
0x35: {  	[tilespmem:s25], [sflag:$0x6] =	stream.linear.gather [hbm4b:s26+s9], $0x280, $0x38;
	[tilespmem:$0x19880] =	vst v63  }
0x36: {  	_ =	swait.ge [sflag:s14], $0x280  }
0x37: {  	[sflag:s14] =	ssyncset.done $0x0  }
0x38: {  	[sflag:s14] =	ssyncadd.s32 $0xFFFFFD80;
	s14 =	simm.s32 $0x400  }
0x39: {  	[tilespmem:s14], [sflag:$0x1] =	stream.linear.gather [hbm4b:s8+s9], $0x280, $0x38;
	[tilespmem:$0x19880] =	vst v63  }
0x3a: {  	s26 =	simm.s32 $0xC00;
	s25 =	rddreg [dreg:$0x7]  }
0x3b: {  	[tilespmem:s26], [sflag:$0x1] =	stream.linear.gather [hbm4b:s25+s9], $0x280, $0x38;
	[tilespmem:$0x19880] =	vst v63  }
0x3c: {  	s14 =	simm.s32 $0x0;
	s25 =	simm.s32 $0x0;
	s26 =	simm.s32 $0x200  }
0x3d: {  	[tilespmem:s29], [sflag:$0x2] =	stream.indirect.gather [hbm4b:s1+s28], $0x80, s9, s28, $0xb8;
	[tilespmem:$0x19880] =	vst v63  }
.LBB2_2:
0x3e: {  	p0 =	sne.s32 s26, $0x9E00;
	[tilespmem:s25+$0x3870] =	vst v0  }
0x3f: {  	[tilespmem:s25+$0x3800] =	vst v0  }
0x40: {  	[tilespmem:s25+$0x3810] =	vst v0  }
.Ltmp2:
0x41: {  	[tilespmem:s25+$0x3820] =	vst v0;
	(pc) =	sbr.rel @p0 .LBB2_2-.Ltmp2, $4  }
0x42: {  	[tilespmem:s25+$0x3830] =	vst v0  }
0x43: {  	[tilespmem:s25+$0x3840] =	vst v0  }
0x44: {  	[tilespmem:s25+$0x3850] =	vst v0  }
0x45: {  	[tilespmem:s25+$0x3860] =	vst v0;
	s25 =	sshra.s32 s26, $0x2;
	s26 =	sadd.s32 $0x200, s26  }
0x46: {  	[tilespmem:s25+$0x3870] =	vst v0  }
0x47: {  	[tilespmem:s25+$0x3800] =	vst v0  }
0x48: {  	[tilespmem:s25+$0x3810] =	vst v0  }
0x49: {  	[tilespmem:s25+$0x3820] =	vst v0  }
0x4a: {  	[tilespmem:s25+$0x3830] =	vst v0  }
0x4b: {  	[tilespmem:s25+$0x3840] =	vst v0  }
0x4c: {  	[tilespmem:s25+$0x3850] =	vst v0  }
0x4d: {  	[tilespmem:s25+$0x3860] =	vst v0  }
0x4e: {  	[spmem:s13] =	stream.linear.scatter [tilespmem:s30], [sflag:$0x4], $0x2800, $0x38;
	[tilespmem:$0x19880] =	vst v63  }
0x4f: {  	s9 =	rddreg [dreg:$0x9]  }
0x50: {  	[spmem:s9] =	stream.linear.scatter [tilespmem:s30], [sflag:$0x4], $0x2800, $0x38;
	[tilespmem:$0x19880] =	vst v63  }
0x51: {  	s25 =	rddreg [dreg:$0xa]  }
0x52: {  	[spmem:s25] =	stream.linear.scatter [tilespmem:s30], [sflag:$0x4], $0x2800, $0x38;
	[tilespmem:$0x19880] =	vst v63  }
0x53: {  	s26 =	rddreg [dreg:$0xb]  }
0x54: {  	[spmem:s26] =	stream.linear.scatter [tilespmem:s30], [sflag:$0x4], $0x2800, $0x38;
	[tilespmem:$0x19880] =	vst v63  }
0x55: {  	s11 =	rddreg [dreg:$0xc]  }
0x56: {  	[spmem:s11] =	stream.linear.scatter [tilespmem:s30], [sflag:$0x4], $0x2800, $0x38;
	[tilespmem:$0x19880] =	vst v63  }
0x57: {  	s13 =	rddreg [dreg:$0xd]  }
0x58: {  	[spmem:s13] =	stream.linear.scatter [tilespmem:s30], [sflag:$0x4], $0x2800, $0x38;
	[tilespmem:$0x19880] =	vst v63  }
0x59: {  	s25 =	rddreg [dreg:$0xe]  }
0x5a: {  	[spmem:s25] =	stream.linear.scatter [tilespmem:s30], [sflag:$0x4], $0x2800, $0x38;
	[tilespmem:$0x19880] =	vst v63  }
0x5b: {  	s26 =	rddreg [dreg:$0xf]  }
0x5c: {  	[spmem:s26] =	stream.linear.scatter [tilespmem:s30], [sflag:$0x4], $0x2800, $0x38;
	[tilespmem:$0x19880] =	vst v63  }
0x5d: {  	_ =	swait.ge [sflag:s31], $0x2800  }
0x5e: {  	[sflag:s31] =	ssyncset.done $0x0  }
0x5f: {  	[sflag:s31] =	ssyncadd.s32 $0xFFFFD800  }
0x60: {  	_ =	swait.ge [sflag:s31], $0x2800  }
0x61: {  	[sflag:s31] =	ssyncset.done $0x0  }
0x62: {  	[sflag:s31] =	ssyncadd.s32 $0xFFFFD800  }
0x63: {  	_ =	swait.ge [sflag:s31], $0x2800  }
0x64: {  	[sflag:s31] =	ssyncset.done $0x0  }
0x65: {  	[sflag:s31] =	ssyncadd.s32 $0xFFFFD800  }
0x66: {  	_ =	swait.ge [sflag:s31], $0x2800  }
0x67: {  	[sflag:s31] =	ssyncset.done $0x0  }
0x68: {  	[sflag:s31] =	ssyncadd.s32 $0xFFFFD800  }
0x69: {  	_ =	swait.ge [sflag:s31], $0x2800  }
0x6a: {  	[sflag:s31] =	ssyncset.done $0x0  }
0x6b: {  	[sflag:s31] =	ssyncadd.s32 $0xFFFFD800  }
0x6c: {  	_ =	swait.ge [sflag:s31], $0x2800  }
0x6d: {  	[sflag:s31] =	ssyncset.done $0x0  }
0x6e: {  	[sflag:s31] =	ssyncadd.s32 $0xFFFFD800  }
0x6f: {  	_ =	swait.ge [sflag:s31], $0x2800  }
0x70: {  	[sflag:s31] =	ssyncset.done $0x0  }
0x71: {  	[sflag:s31] =	ssyncadd.s32 $0xFFFFD800  }
0x72: {  	_ =	swait.ge [sflag:s31], $0x2800  }
0x73: {  	[sflag:s31] =	ssyncset.done $0x0  }
0x74: {  	[sflag:s31] =	ssyncadd.s32 $0xFFFFD800  }
0x75: {  	[bflag:$0x0] =	sbarrier.arrive $0xFFFF  }
0x76: {  	s25 =	simm.s32 $0x0;
	s26 =	rddreg [dreg:$0x12]  }
.LBB2_4:
0x77: {  	_ =	swait.ge [sflag:s0], $0x2800  }
0x78: {  	p0 =	seq.s32 s25, $0x0;
	[sflag:s0] =	ssyncset.done $0x0  }
0x79: {  	s9 =	simm.s32 @!p0 $0x5;
	[sflag:s0] =	ssyncadd.s32 $0xFFFFD800  }
0x7a: {  	_ =	swait.ge @!p0 [sflag:s9], $0x2800  }
0x7b: {  	s11 =	simm.s32 @!p0 $0x0;
	[sflag:s9] =	ssyncset.done @!p0 $0x0  }
0x7c: {  	s13 =	simm.s32 @!p0 $0x400;
	[sflag:s9] =	ssyncadd.s32 @!p0 $0xFFFFD800;
	s9 =	sadd.s32 @!p0 s25, s8  }
0x7d: {  	[tilespmem:s13], [sflag:$0x1] =	stream.linear.gather @!p0 [hbm4b:s9+s11], $0x280, $0x38;
	[tilespmem:$0x19880] =	vst v63  }
0x7e: {  	s9 =	sadd.s32 @!p0 s25, s22;
	s13 =	simm.s32 @!p0 $0xC00  }
0x7f: {  	[tilespmem:s13], [sflag:$0x1] =	stream.linear.gather @!p0 [hbm4b:s9+s11], $0x280, $0x38;
	[tilespmem:$0x19880] =	vst v63  }
0x80: {  	s11 =	simm.s32 $0x800  }
0x81: {  	[spmem:s2] =	stream.indirect.scatter.add.f32 [tilespmem:s29], [sflag:$0x4], $0x80, s11, s28, $0xb8;
	[tilespmem:$0x19880] =	vst v63  }
0x82: {  	s13 =	simm.s32 $0x80  }
0x83: {  	[tilespmem:s30], [sflag:$0x3] =	stream.indirect.gather [hbm4b:s1+s28], $0x80, s13, s28, $0xb8;
	[tilespmem:$0x19880] =	vst v63  }
0x84: {  	_ =	swait.ge [sflag:s7], $0x2800  }
0x85: {  	[sflag:s7] =	ssyncset.done $0x0  }
0x86: {  	[sflag:s7] =	ssyncadd.s32 $0xFFFFD800  }
0x87: {  	_ =	swait.ge [sflag:s31], $0x2800  }
0x88: {  	[sflag:s31] =	ssyncset.done $0x0  }
0x89: {  	s11 =	simm.s32 $0x880;
	[sflag:s31] =	ssyncadd.s32 $0xFFFFD800  }
0x8a: {  	[spmem:s2] =	stream.indirect.scatter.add.f32 [tilespmem:s30], [sflag:$0x5], $0x80, s11, s28, $0xb8;
	[tilespmem:$0x19880] =	vst v63  }
0x8b: {  	s13 =	simm.s32 $0x100  }
0x8c: {  	[tilespmem:s29], [sflag:$0x2] =	stream.indirect.gather [hbm4b:s1+s28], $0x80, s13, s28, $0xb8;
	[tilespmem:$0x19880] =	vst v63  }
0x8d: {  	_ =	swait.ge [sflag:s0], $0x2800  }
0x8e: {  	[sflag:s0] =	ssyncset.done $0x0  }
0x8f: {  	[sflag:s0] =	ssyncadd.s32 $0xFFFFD800  }
0x90: {  	_ =	swait.ge [sflag:s12], $0x2800  }
0x91: {  	[sflag:s12] =	ssyncset.done $0x0  }
0x92: {  	s11 =	simm.s32 $0x900;
	[sflag:s12] =	ssyncadd.s32 $0xFFFFD800  }
0x93: {  	[spmem:s2] =	stream.indirect.scatter.add.f32 [tilespmem:s29], [sflag:$0x4], $0x80, s11, s28, $0xb8;
	[tilespmem:$0x19880] =	vst v63  }
0x94: {  	s13 =	simm.s32 $0x180  }
0x95: {  	[tilespmem:s30], [sflag:$0x3] =	stream.indirect.gather [hbm4b:s1+s28], $0x80, s13, s28, $0xb8;
	[tilespmem:$0x19880] =	vst v63  }
0x96: {  	_ =	swait.ge [sflag:s7], $0x2800  }
0x97: {  	[sflag:s7] =	ssyncset.done $0x0  }
0x98: {  	[sflag:s7] =	ssyncadd.s32 $0xFFFFD800  }
0x99: {  	_ =	swait.ge [sflag:s31], $0x2800  }
0x9a: {  	[sflag:s31] =	ssyncset.done $0x0  }
0x9b: {  	[sflag:s31] =	ssyncadd.s32 $0xFFFFD800  }
0x9c: {  	[spmem:s2] =	stream.indirect.scatter.add.f32 [tilespmem:s30], [sflag:$0x5], $0x80, s15, s28, $0xb8;
	[tilespmem:$0x19880] =	vst v63  }
0x9d: {  	_ = 	snop  }
0x9e: {  	[tilespmem:s29], [sflag:$0x2] =	stream.indirect.gather [hbm4b:s1+s28], $0x80, s16, s28, $0xb8;
	[tilespmem:$0x19880] =	vst v63  }
0x9f: {  	_ =	swait.ge [sflag:s0], $0x2800  }
0xa0: {  	[sflag:s0] =	ssyncset.done $0x0  }
0xa1: {  	[sflag:s0] =	ssyncadd.s32 $0xFFFFD800  }
0xa2: {  	_ =	swait.ge [sflag:s12], $0x2800  }
0xa3: {  	[sflag:s12] =	ssyncset.done $0x0  }
0xa4: {  	[sflag:s12] =	ssyncadd.s32 $0xFFFFD800  }
0xa5: {  	[spmem:s2] =	stream.indirect.scatter.add.f32 [tilespmem:s29], [sflag:$0x4], $0x80, s17, s28, $0xb8;
	[tilespmem:$0x19880] =	vst v63  }
0xa6: {  	_ =	swait.ge [sflag:s6], $0x280  }
0xa7: {  	[sflag:s6] =	ssyncset.done $0x0  }
0xa8: {  	[sflag:s6] =	ssyncadd.s32 $0xFFFFFD80  }
0xa9: {  	_ =	swait.ge [sflag:s6], $0x280  }
0xaa: {  	[sflag:s6] =	ssyncset.done $0x0  }
0xab: {  	s11 =	simm.s32 $0x400;
	[sflag:s6] =	ssyncadd.s32 $0xFFFFFD80  }
0xac: {  	[tilespmem:s30], [sflag:$0x3] =	stream.indirect.gather [hbm4b:s1+s28], $0x80, s11, s28, $0xb8;
	[tilespmem:$0x19880] =	vst v63  }
0xad: {  	_ =	swait.ge [sflag:s7], $0x2800  }
0xae: {  	[sflag:s7] =	ssyncset.done $0x0  }
0xaf: {  	[sflag:s7] =	ssyncadd.s32 $0xFFFFD800  }
0xb0: {  	_ =	swait.ge [sflag:s31], $0x2800  }
0xb1: {  	p0 =	seq.s32 s25, $0x1800;
	[sflag:s31] =	ssyncset.done $0x0  }
0xb2: {  	s9 =	sadd.s32 @!p0 s25, s21;
	s11 =	simm.s32 @!p0 $0x0;
	[sflag:s31] =	ssyncadd.s32 $0xFFFFD800  }
0xb3: {  	[tilespmem:s11], [sflag:$0x1] =	stream.linear.gather @!p0 [hbm4b:s9+s11], $0x280, $0x38;
	[tilespmem:$0x19880] =	vst v63  }
0xb4: {  	s9 =	sshrl.u32 @!p0 s26, $0x3  }
0xb5: {  	s13 =	simm.s32 @!p0 $0x800;
	s9 =	sadd.s32 @!p0 s5, s9  }
0xb6: {  	[tilespmem:s13], [sflag:$0x1] =	stream.linear.gather @!p0 [hbm4b:s9+s11], $0x280, $0x38;
	[tilespmem:$0x19880] =	vst v63  }
0xb7: {  	s13 =	simm.s32 $0xC00  }
0xb8: {  	[spmem:s2] =	stream.indirect.scatter.add.f32 [tilespmem:s30], [sflag:$0x5], $0x80, s13, s28, $0xb8;
	[tilespmem:$0x19880] =	vst v63  }
0xb9: {  	_ = 	snop  }
0xba: {  	[tilespmem:s29], [sflag:$0x2] =	stream.indirect.gather [hbm4b:s1+s28], $0x80, s18, s28, $0xb8;
	[tilespmem:$0x19880] =	vst v63  }
0xbb: {  	_ =	swait.ge [sflag:s0], $0x2800  }
0xbc: {  	[sflag:s0] =	ssyncset.done $0x0  }
0xbd: {  	[sflag:s0] =	ssyncadd.s32 $0xFFFFD800  }
0xbe: {  	_ =	swait.ge [sflag:s12], $0x2800  }
0xbf: {  	[sflag:s12] =	ssyncset.done $0x0  }
0xc0: {  	[sflag:s12] =	ssyncadd.s32 $0xFFFFD800  }
0xc1: {  	[spmem:s2] =	stream.indirect.scatter.add.f32 [tilespmem:s29], [sflag:$0x4], $0x80, s19, s28, $0xb8;
	[tilespmem:$0x19880] =	vst v63  }
0xc2: {  	_ = 	snop  }
0xc3: {  	[tilespmem:s30], [sflag:$0x3] =	stream.indirect.gather [hbm4b:s1+s28], $0x80, s20, s28, $0xb8;
	[tilespmem:$0x19880] =	vst v63  }
0xc4: {  	_ =	swait.ge [sflag:s7], $0x2800  }
0xc5: {  	[sflag:s7] =	ssyncset.done $0x0  }
0xc6: {  	[sflag:s7] =	ssyncadd.s32 $0xFFFFD800  }
0xc7: {  	_ =	swait.ge [sflag:s31], $0x2800  }
0xc8: {  	[sflag:s31] =	ssyncset.done $0x0  }
0xc9: {  	[sflag:s31] =	ssyncadd.s32 $0xFFFFD800  }
0xca: {  	[spmem:s2] =	stream.indirect.scatter.add.f32 [tilespmem:s30], [sflag:$0x5], $0x80, s10, s28, $0xb8;
	[tilespmem:$0x19880] =	vst v63  }
0xcb: {  	_ = 	snop  }
0xcc: {  	[tilespmem:s29], [sflag:$0x2] =	stream.indirect.gather [hbm4b:s1+s28], $0x80, s23, s28, $0xb8;
	[tilespmem:$0x19880] =	vst v63  }
0xcd: {  	_ =	swait.ge [sflag:s0], $0x2800  }
0xce: {  	[sflag:s0] =	ssyncset.done $0x0  }
0xcf: {  	[sflag:s0] =	ssyncadd.s32 $0xFFFFD800  }
0xd0: {  	_ =	swait.ge [sflag:s12], $0x2800  }
0xd1: {  	[sflag:s12] =	ssyncset.done $0x0  }
0xd2: {  	[sflag:s12] =	ssyncadd.s32 $0xFFFFD800  }
0xd3: {  	[spmem:s2] =	stream.indirect.scatter.add.f32 [tilespmem:s29], [sflag:$0x4], $0x80, s4, s28, $0xb8;
	[tilespmem:$0x19880] =	vst v63  }
0xd4: {  	_ = 	snop  }
0xd5: {  	[tilespmem:s30], [sflag:$0x3] =	stream.indirect.gather [hbm4b:s1+s28], $0x80, s3, s28, $0xb8;
	[tilespmem:$0x19880] =	vst v63  }
0xd6: {  	_ =	swait.ge [sflag:s7], $0x2800  }
0xd7: {  	[sflag:s7] =	ssyncset.done $0x0  }
.Ltmp3:
0xd8: {  	[sflag:s7] =	ssyncadd.s32 $0xFFFFD800;
	(pc) =	sbr.rel @p0 .LBB2_6-.Ltmp3, $4  }
0xd9: {  	_ =	swait.ge [sflag:s31], $0x2800  }
0xda: {  	[sflag:s31] =	ssyncset.done $0x0  }
0xdb: {  	[sflag:s31] =	ssyncadd.s32 $0xFFFFD800  }
0xdc: {  	[spmem:s2] =	stream.indirect.scatter.add.f32 [tilespmem:s30], [sflag:$0x5], $0x80, s24, s28, $0xb8;
	[tilespmem:$0x19880] =	vst v63  }
0xdd: {  	_ =	swait.ge [sflag:s6], $0x280  }
0xde: {  	[sflag:s6] =	ssyncset.done $0x0  }
.Ltmp4:
0xdf: {  	[sflag:s6] =	ssyncadd.s32 $0xFFFFFD80;
	(pc) =	sbr.rel .LBB2_4-.Ltmp4, $4  }
0xe0: {  	_ =	swait.ge [sflag:s6], $0x280  }
0xe1: {  	[sflag:s6] =	ssyncset.done $0x0  }
0xe2: {  	s25 =	sadd.s32 $0x100, s25;
	s26 =	sadd.s32 $0x800, s26;
	[sflag:s6] =	ssyncadd.s32 $0xFFFFFD80  }
0xe3: {  	[tilespmem:s29], [sflag:$0x2] =	stream.indirect.gather [hbm4b:s1+s28], $0x80, s14, s28, $0xb8;
	[tilespmem:$0x19880] =	vst v63  }
.LBB2_7:
0xe4: {  	_ =	sfence.sel $0x180000  }
0xe5: {  	[bflag:$0x0] =	sbarrier.arrive $0xFFFF  }
0xe6: {  	_ =	strace $0x90000047  }
0xe7: {  	s0 =	stileid.u32;
	[bflag:$0x2] =	sbarrier.arrive $0xFFFF  }
0xe8: {  	p0 =	sne.s32 s0, $0x0;
	s0 =	rddreg [dreg:$0x4]  }
0xe9: {  	s0 =	sadd.s32 @!p0 $0x100000, s0  }
0xea: {  	[sflag:s0] =	ssyncadd.tile.s32 @!p0 $0x1;
	_ =	shalt  }
.Lfunc_end2:
_tile_overlayer_lowered:
.L_overlay_start_2:
0xeb: {  	(tag) =	ssettag $0x2  }
0xec: {  	s0 =	rddreg [dreg:$0x0];
	s2 =	stileid.u32  }
0xed: {  	s1 =	rddreg [dreg:$0x1];
	p0 =	sne.s32 s2, $0x0  }
0xee: {  	s3 =	rddreg [dreg:$0x2];
	[bflag:$0x3] =	sbarrier.arrive $0xFFFF;
	s2 =	simm.s32 @!p0 $0x1C06  }
0xef: {  	[timem:s3], [sflag:s2] =	dma.local @!p0 [hbm:s0], s1  }
0xf0: {  	s0 =	simm.s32 @!p0 $0x6  }
0xf1: {  	_ =	swait.ge @!p0 [sflag:s0], s1  }
0xf2: {  	s1 =	ssub.s32 @!p0 $0x0, s1;
	[sflag:s0] =	ssyncset.done @!p0 $0x0  }
0xf3: {  	[sflag:s0] =	ssyncadd.s32 @!p0 s1  }
0xf4: {  	[bflag:$0x3] =	sbarrier.arrive $0xFFFF  }
0xf5: {  	_ =	shalt  }

</sc_bundles>
